<compile_context>
chip_gen: v7x
topology: tpu7x:2x2x1
jax: 0.10.2.dev20260603
libtpu: 0.0.44.dev20260713+nightly
codegen_flags: <defaults>
</compile_context>

<pallas_src>
import functools

import jax
import jax.numpy as jnp
from jax import lax
from jax.experimental import pallas as pl
from jax.experimental.pallas import tpu as pltpu
from jax.experimental.pallas import tpu_sc as plsc

N_ENT = 100000
N_REL = 16
D_IN = 128
D_REL = 64
M = 16384
REG_KG = 0.01

NSPLIT = 2
H = M // NSPLIT

NC, NS = 2, 16
NW = NC * NS
CHUNK = 128
PER_ARR = H // NW
N_CHUNK = PER_ARR // CHUNK


def _sc_gather_body(part, h_hbm, p_hbm, n_hbm, table_hbm, out_hbm,
                    idx_v, buf0, buf1, sem0, sem1):
    wid = lax.axis_index("s") * NC + lax.axis_index("c")
    src_base = part * H + wid * PER_ARR
    for t, a_hbm in enumerate((h_hbm, p_hbm, n_hbm)):
        pltpu.sync_copy(a_hbm.at[pl.ds(src_base, PER_ARR)],
                        idx_v.at[pl.ds(t * PER_ARR, PER_ARR)])
    bufs = (buf0, buf1)
    sems = (sem0, sem1)
    total = 3 * N_CHUNK
    handles = [None] * total
    handles[0] = pltpu.async_copy(
        table_hbm.at[idx_v.at[pl.ds(0, CHUNK)]], buf0, sem0)
    for c in range(total):
        if c + 1 < total:
            handles[c + 1] = pltpu.async_copy(
                table_hbm.at[idx_v.at[pl.ds((c + 1) * CHUNK, CHUNK)]],
                bufs[(c + 1) % 2], sems[(c + 1) % 2])
        handles[c].wait()
        t, j = divmod(c, N_CHUNK)
        dst = wid * PER_ARR + j * CHUNK
        pltpu.sync_copy(bufs[c % 2], out_hbm.at[t, pl.ds(dst, CHUNK)])


@functools.cache
def _sc_gather(part):
    return pl.kernel(
        functools.partial(_sc_gather_body, part),
        mesh=plsc.VectorSubcoreMesh(core_axis_name="c", subcore_axis_name="s"),
        out_type=jax.ShapeDtypeStruct((3, H, D_IN), jnp.float32),
        scratch_types=[
            pltpu.VMEM((3 * PER_ARR,), jnp.int32),
            pltpu.VMEM((CHUNK, D_IN), jnp.float32),
            pltpu.VMEM((CHUNK, D_IN), jnp.float32),
            pltpu.SemaphoreType.DMA,
            pltpu.SemaphoreType.DMA,
        ],
    )


BLK = 1024
NCOL = N_REL * D_REL


def _normalize(x):
    n2 = jnp.sum(x * x, axis=1, keepdims=True)
    inv = lax.rsqrt(jnp.maximum(n2, 1e-24))
    return x * inv


def _tc_body(gath_ref, r_ref, rb_ref, cr_ref, wall_ref, rel_ref, out_ref):
    i = pl.program_id(0)
    r_col = r_ref[...]
    rb_col = rb_ref[...]
    col_rel = cr_ref[0:1, :]
    wall = wall_ref[...]

    colmask = col_rel == rb_col

    def project(x):
        y = lax.dot_general(x.astype(jnp.bfloat16), wall,
                            (((1,), (0,)), ((), ())),
                            preferred_element_type=jnp.float32)
        y = jnp.where(colmask, y.astype(jnp.bfloat16), jnp.bfloat16(0))
        t = y[:, 0:128]
        for j in range(1, NCOL // 128):
            t = t + y[:, 128 * j:128 * (j + 1)]
        return (t[:, 0:D_REL] + t[:, D_REL:128]).astype(jnp.float32)

    h_vec = _normalize(project(gath_ref[0]))
    pos_t_vec = _normalize(project(gath_ref[1]))
    neg_t_vec = _normalize(project(gath_ref[2]))

    onehot = (r_col == lax.broadcasted_iota(jnp.int32, (BLK, N_REL), 1)
              ).astype(jnp.float32)
    rel_n = _normalize(rel_ref[...])
    r_vec = lax.dot_general(onehot, rel_n, (((1,), (0,)), ((), ())),
                            preferred_element_type=jnp.float32)

    d_pos = h_vec + r_vec - pos_t_vec
    d_neg = h_vec + r_vec - neg_t_vec
    pos_score = jnp.sum(d_pos * d_pos, axis=1, keepdims=True)
    neg_score = jnp.sum(d_neg * d_neg, axis=1, keepdims=True)
    z = neg_score - pos_score
    li = jnp.maximum(-z, 0.0) + jnp.log(1.0 + jnp.exp(-jnp.abs(z)))

    reg = 0.5 * (jnp.sum(h_vec * h_vec) + jnp.sum(r_vec * r_vec)
                 + jnp.sum(pos_t_vec * pos_t_vec)
                 + jnp.sum(neg_t_vec * neg_t_vec))
    partial = ((jnp.sum(li) + REG_KG * reg) * (1.0 / M)).reshape(1, 1)

    acc = jnp.where(i == 0, partial, out_ref[...] + partial)
    out_ref[...] = acc


@functools.cache
def _tc_compute(part):
    grid = H // BLK
    blk_off = part * grid
    return pl.pallas_call(
        _tc_body,
        grid=(grid,),
        in_specs=[
            pl.BlockSpec((3, BLK, D_IN), lambda i: (0, i, 0)),
            pl.BlockSpec((BLK, 1), lambda i: (blk_off + i, 0)),
            pl.BlockSpec((BLK, 1), lambda i: (blk_off + i, 0)),
            pl.BlockSpec((16, NCOL), lambda i: (0, 0)),
            pl.BlockSpec((D_IN, NCOL), lambda i: (0, 0)),
            pl.BlockSpec((N_REL, D_REL), lambda i: (0, 0)),
        ],
        out_specs=pl.BlockSpec((1, 1), lambda i: (0, 0)),
        out_shape=jax.ShapeDtypeStruct((1, 1), jnp.float32),
    )


def kernel(entity_table, relation_table, W_R, h, r, pos_t, neg_t):
    h = h.astype(jnp.int32)
    r = r.astype(jnp.int32)
    pos_t = pos_t.astype(jnp.int32)
    neg_t = neg_t.astype(jnp.int32)
    wall = jnp.transpose(W_R, (1, 0, 2)).reshape(D_IN, NCOL).astype(jnp.bfloat16)
    r2d = r.reshape(M, 1)
    rb2d = r2d.astype(jnp.bfloat16)
    col_rel = jnp.broadcast_to(
        (jnp.arange(NCOL, dtype=jnp.int32) // D_REL).astype(jnp.bfloat16),
        (16, NCOL))

    parts = [_sc_gather(p)(h, pos_t, neg_t, entity_table)
             for p in range(NSPLIT)]
    out = None
    for p in range(NSPLIT):
        o = _tc_compute(p)(parts[p], r2d, rb2d, col_rel, wall, relation_table)
        out = o if out is None else out + o
    return out[0, 0]

# --- scband reference (transcript-rebuilt; emitter-appended) ---
"""Pipeline reference for scband-model-87136296501727 (READ-ONLY COPY).

The authoritative reference and input builder live on the scoring server;
editing this copy changes nothing except your own understanding.
"""

import jax, jax.numpy as jnp
import numpy as np

N_ENT = 100000
N_REL = 16
D_IN = 128
D_REL = 64
M = 16384
REG_KG = 0.01


def setup_inputs(seed: int = 0) -> dict:
    key = jax.random.key(seed)
    ks = jax.random.split(key, 7)
    entity_table = jax.random.normal(ks[0], (N_ENT, D_IN), dtype=jnp.float32) * 0.05
    relation_table = jax.random.normal(ks[1], (N_REL, D_REL), dtype=jnp.float32) * 0.05
    # xavier_uniform with relu gain for W_R
    gain = float(np.sqrt(2.0))
    bound = gain * float(np.sqrt(6.0 / (D_IN + D_REL)))
    W_R = jax.random.uniform(ks[2], (N_REL, D_IN, D_REL), dtype=jnp.float32, minval=-bound, maxval=bound)
    h = jax.random.randint(ks[3], (M,), 0, N_ENT)
    r = jax.random.randint(ks[4], (M,), 0, N_REL)
    pos_t = jax.random.randint(ks[5], (M,), 0, N_ENT)
    neg_t = jax.random.randint(ks[6], (M,), 0, N_ENT)
    return {"entity_table": entity_table, "relation_table": relation_table, "W_R": W_R,
            "h": h, "r": r, "pos_t": pos_t, "neg_t": neg_t}


def _normalize(x):
    n = jnp.linalg.norm(x, axis=1, keepdims=True)
    return x / jnp.maximum(n, 1e-12)


def _l2_loss_mean(x):
    return jnp.mean(jnp.sum(x * x, axis=1) / 2.0)


def reference(entity_table, relation_table, W_R, h, r, pos_t, neg_t):
    # transR forward (Model.transR)
    h_embed = jnp.take(entity_table, h, axis=0)          # [M, D_IN] gather
    r_embed = jnp.take(relation_table, r, axis=0)        # [M, D_REL] gather
    pos_t_embed = jnp.take(entity_table, pos_t, axis=0)  # [M, D_IN]
    neg_t_embed = jnp.take(entity_table, neg_t, axis=0)  # [M, D_IN]
    W = jnp.take(W_R, r, axis=0)                          # [M, D_IN, D_REL] big gather
    # bmm_maybe_select dense path: C[i,:] = A[i,:] @ B[index[i],:,:]
    h_vec = _normalize(jnp.einsum('md,mde->me', h_embed, W))
    r_vec = _normalize(r_embed)
    pos_t_vec = _normalize(jnp.einsum('md,mde->me', pos_t_embed, W))
    neg_t_vec = _normalize(jnp.einsum('md,mde->me', neg_t_embed, W))
    pos_score = jnp.sum((h_vec + r_vec - pos_t_vec) ** 2, axis=1, keepdims=True)
    neg_score = jnp.sum((h_vec + r_vec - neg_t_vec) ** 2, axis=1, keepdims=True)
    l = jnp.mean(-1.0 * jax.nn.log_sigmoid(neg_score - pos_score))
    reg_loss = (_l2_loss_mean(h_vec) + _l2_loss_mean(r_vec)
                + _l2_loss_mean(pos_t_vec) + _l2_loss_mean(neg_t_vec))
    loss = l + REG_KG * reg_loss
    return loss

if __name__ == "__main__":
    import jax
    _d = setup_inputs()
    print(jax.jit(kernel)(*tuple(_d.values())))

</pallas_src>

<mosaic_0001>
#map = affine_map<(d0, d1) -> (0)>
#map1 = affine_map<(d0, d1) -> (0, 0)>
#map2 = affine_map<(d0, d1) -> (0, 0, 0)>
module attributes {stable_mosaic.version = 14 : i64} {
  func.func @_sc_gather_body(%arg0: i32, %arg1: i32, %arg2: memref<16384xi32, #tpu.memory_space<hbm>>, %arg3: memref<16384xi32, #tpu.memory_space<hbm>>, %arg4: memref<16384xi32, #tpu.memory_space<hbm>>, %arg5: memref<100000x128xf32, #tpu.memory_space<hbm>>, %arg6: memref<3x8192x128xf32, #tpu.memory_space<hbm>>, %arg7: memref<768xi32, #tpu.memory_space<vmem>>, %arg8: memref<128x128xf32, #tpu.memory_space<vmem>>, %arg9: memref<128x128xf32, #tpu.memory_space<vmem>>, %arg10: memref<!tpu.dma_semaphore, #tpu.memory_space<semaphore_mem>>, %arg11: memref<!tpu.dma_semaphore, #tpu.memory_space<semaphore_mem>>) attributes {dimension_semantics = [#tpu.dimension_semantics<core_parallel>, #tpu.dimension_semantics<subcore_parallel>], iteration_bounds = array<i64: 2, 16>, scalar_prefetch = 0 : i64, scratch_operands = 5 : i64, tpu.core_type = #tpu.core_type<sc_vector_subcore>, window_params = [{transform_indices = #map}, {transform_indices = #map}, {transform_indices = #map}, {transform_indices = #map1}, {transform_indices = #map2}]} {
    %mul3A = arith.constant 2 : i32
    %mul3A_0 = arith.muli %arg1, %mul3A : i32
    %add3A = arith.addi %mul3A_0, %arg0 : i32
    %mul3A_1 = arith.constant 256 : i32
    %mul3A_2 = arith.muli %add3A, %mul3A_1 : i32
    %add3A_3 = arith.constant 8192 : i32
    %add3A_4 = arith.addi %add3A_3, %mul3A_2 : i32
    "tpu.region"() ({
      %run_scoped3A_92 = tpu.sem_alloc : memref<!tpu.dma_semaphore, #tpu.memory_space<semaphore_mem>>
      %dma_start3A_93 = arith.constant 0 : i32
      %dma_start3A_94 = tpu.memref_slice %arg7[%dma_start3A_93] : memref<768xi32, #tpu.memory_space<vmem>> -> memref<256xi32, #tpu.memory_space<vmem>>
      %dma_start3A_95 = tpu.memref_slice %arg2[%add3A_4] : memref<16384xi32, #tpu.memory_space<hbm>> -> memref<256xi32, #tpu.memory_space<hbm>>
      %dma_start3A_96 = arith.constant 0 : i32
      %dma_start3A_97 = tpu.memref_slice %arg7[%dma_start3A_96] : memref<768xi32, #tpu.memory_space<vmem>> -> memref<256xi32, #tpu.memory_space<vmem>>
      %dma_start3A_98 = tpu.memref_slice %arg2[%add3A_4] : memref<16384xi32, #tpu.memory_space<hbm>> -> memref<256xi32, #tpu.memory_space<hbm>>
      tpu.enqueue_dma source(%dma_start3A_98 : memref<256xi32, #tpu.memory_space<hbm>>) target(%dma_start3A_97 : memref<256xi32, #tpu.memory_space<vmem>>) target_semaphore(%run_scoped3A_92 : memref<!tpu.dma_semaphore, #tpu.memory_space<semaphore_mem>>)
      %dma_wait3A_99 = arith.constant 0 : i32
      %dma_wait3A_100 = tpu.memref_slice %arg7[%dma_wait3A_99] : memref<768xi32, #tpu.memory_space<vmem>> -> memref<256xi32, #tpu.memory_space<vmem>>
      %dma_wait3A_101 = tpu.memref_slice %arg2[%add3A_4] : memref<16384xi32, #tpu.memory_space<hbm>> -> memref<256xi32, #tpu.memory_space<hbm>>
      %dma_wait3A_102 = arith.constant 0 : i32
      %dma_wait3A_103 = tpu.memref_slice %arg7[%dma_wait3A_102] : memref<768xi32, #tpu.memory_space<vmem>> -> memref<256xi32, #tpu.memory_space<vmem>>
      %dma_wait3A_104 = tpu.memref_slice %arg2[%add3A_4] : memref<16384xi32, #tpu.memory_space<hbm>> -> memref<256xi32, #tpu.memory_space<hbm>>
      tpu.wait_dma2 semaphore(%run_scoped3A_92 : memref<!tpu.dma_semaphore, #tpu.memory_space<semaphore_mem>>) src(%dma_wait3A_104 : memref<256xi32, #tpu.memory_space<hbm>>) dst(%dma_wait3A_103 : memref<256xi32, #tpu.memory_space<vmem>>)
      tpu.yield
    }) : () -> ()
    "tpu.region"() ({
      %run_scoped3A_92 = tpu.sem_alloc : memref<!tpu.dma_semaphore, #tpu.memory_space<semaphore_mem>>
      %dma_start3A_93 = arith.constant 256 : i32
      %dma_start3A_94 = tpu.memref_slice %arg7[%dma_start3A_93] : memref<768xi32, #tpu.memory_space<vmem>> -> memref<256xi32, #tpu.memory_space<vmem>>
      %dma_start3A_95 = tpu.memref_slice %arg3[%add3A_4] : memref<16384xi32, #tpu.memory_space<hbm>> -> memref<256xi32, #tpu.memory_space<hbm>>
      %dma_start3A_96 = arith.constant 256 : i32
      %dma_start3A_97 = tpu.memref_slice %arg7[%dma_start3A_96] : memref<768xi32, #tpu.memory_space<vmem>> -> memref<256xi32, #tpu.memory_space<vmem>>
      %dma_start3A_98 = tpu.memref_slice %arg3[%add3A_4] : memref<16384xi32, #tpu.memory_space<hbm>> -> memref<256xi32, #tpu.memory_space<hbm>>
      tpu.enqueue_dma source(%dma_start3A_98 : memref<256xi32, #tpu.memory_space<hbm>>) target(%dma_start3A_97 : memref<256xi32, #tpu.memory_space<vmem>>) target_semaphore(%run_scoped3A_92 : memref<!tpu.dma_semaphore, #tpu.memory_space<semaphore_mem>>)
      %dma_wait3A_99 = arith.constant 256 : i32
      %dma_wait3A_100 = tpu.memref_slice %arg7[%dma_wait3A_99] : memref<768xi32, #tpu.memory_space<vmem>> -> memref<256xi32, #tpu.memory_space<vmem>>
      %dma_wait3A_101 = tpu.memref_slice %arg3[%add3A_4] : memref<16384xi32, #tpu.memory_space<hbm>> -> memref<256xi32, #tpu.memory_space<hbm>>
      %dma_wait3A_102 = arith.constant 256 : i32
      %dma_wait3A_103 = tpu.memref_slice %arg7[%dma_wait3A_102] : memref<768xi32, #tpu.memory_space<vmem>> -> memref<256xi32, #tpu.memory_space<vmem>>
      %dma_wait3A_104 = tpu.memref_slice %arg3[%add3A_4] : memref<16384xi32, #tpu.memory_space<hbm>> -> memref<256xi32, #tpu.memory_space<hbm>>
      tpu.wait_dma2 semaphore(%run_scoped3A_92 : memref<!tpu.dma_semaphore, #tpu.memory_space<semaphore_mem>>) src(%dma_wait3A_104 : memref<256xi32, #tpu.memory_space<hbm>>) dst(%dma_wait3A_103 : memref<256xi32, #tpu.memory_space<vmem>>)
      tpu.yield
    }) : () -> ()
    "tpu.region"() ({
      %run_scoped3A_92 = tpu.sem_alloc : memref<!tpu.dma_semaphore, #tpu.memory_space<semaphore_mem>>
      %dma_start3A_93 = arith.constant 512 : i32
      %dma_start3A_94 = tpu.memref_slice %arg7[%dma_start3A_93] : memref<768xi32, #tpu.memory_space<vmem>> -> memref<256xi32, #tpu.memory_space<vmem>>
      %dma_start3A_95 = tpu.memref_slice %arg4[%add3A_4] : memref<16384xi32, #tpu.memory_space<hbm>> -> memref<256xi32, #tpu.memory_space<hbm>>
      %dma_start3A_96 = arith.constant 512 : i32
      %dma_start3A_97 = tpu.memref_slice %arg7[%dma_start3A_96] : memref<768xi32, #tpu.memory_space<vmem>> -> memref<256xi32, #tpu.memory_space<vmem>>
      %dma_start3A_98 = tpu.memref_slice %arg4[%add3A_4] : memref<16384xi32, #tpu.memory_space<hbm>> -> memref<256xi32, #tpu.memory_space<hbm>>
      tpu.enqueue_dma source(%dma_start3A_98 : memref<256xi32, #tpu.memory_space<hbm>>) target(%dma_start3A_97 : memref<256xi32, #tpu.memory_space<vmem>>) target_semaphore(%run_scoped3A_92 : memref<!tpu.dma_semaphore, #tpu.memory_space<semaphore_mem>>)
      %dma_wait3A_99 = arith.constant 512 : i32
      %dma_wait3A_100 = tpu.memref_slice %arg7[%dma_wait3A_99] : memref<768xi32, #tpu.memory_space<vmem>> -> memref<256xi32, #tpu.memory_space<vmem>>
      %dma_wait3A_101 = tpu.memref_slice %arg4[%add3A_4] : memref<16384xi32, #tpu.memory_space<hbm>> -> memref<256xi32, #tpu.memory_space<hbm>>
      %dma_wait3A_102 = arith.constant 512 : i32
      %dma_wait3A_103 = tpu.memref_slice %arg7[%dma_wait3A_102] : memref<768xi32, #tpu.memory_space<vmem>> -> memref<256xi32, #tpu.memory_space<vmem>>
      %dma_wait3A_104 = tpu.memref_slice %arg4[%add3A_4] : memref<16384xi32, #tpu.memory_space<hbm>> -> memref<256xi32, #tpu.memory_space<hbm>>
      tpu.wait_dma2 semaphore(%run_scoped3A_92 : memref<!tpu.dma_semaphore, #tpu.memory_space<semaphore_mem>>) src(%dma_wait3A_104 : memref<256xi32, #tpu.memory_space<hbm>>) dst(%dma_wait3A_103 : memref<256xi32, #tpu.memory_space<vmem>>)
      tpu.yield
    }) : () -> ()
    %dma_start3A = arith.constant 0 : i32
    %dma_start3A_5 = tpu.memref_slice %arg7[%dma_start3A] : memref<768xi32, #tpu.memory_space<vmem>> -> memref<128xi32, #tpu.memory_space<vmem>>
    %dma_start3A_6 = arith.constant 0 : i32
    %dma_start3A_7 = arith.constant 0 : i32
    %dma_start3A_8 = tpu.memref_slice %arg5[%dma_start3A_6, %dma_start3A_7] : memref<100000x128xf32, #tpu.memory_space<hbm>> -> memref<100000x128xf32, #tpu.memory_space<hbm>>
    tpu.enqueue_indirect_dma source(%dma_start3A_8 : memref<100000x128xf32, #tpu.memory_space<hbm>>) target(%arg8 : memref<128x128xf32, #tpu.memory_space<vmem>>) offsets(%dma_start3A_5 : memref<128xi32, #tpu.memory_space<vmem>>) semaphore(%arg10 : memref<!tpu.dma_semaphore, #tpu.memory_space<semaphore_mem>>)
    %dma_start3A_9 = arith.constant 128 : i32
    %dma_start3A_10 = tpu.memref_slice %arg7[%dma_start3A_9] : memref<768xi32, #tpu.memory_space<vmem>> -> memref<128xi32, #tpu.memory_space<vmem>>
    %dma_start3A_11 = arith.constant 0 : i32
    %dma_start3A_12 = arith.constant 0 : i32
    %dma_start3A_13 = tpu.memref_slice %arg5[%dma_start3A_11, %dma_start3A_12] : memref<100000x128xf32, #tpu.memory_space<hbm>> -> memref<100000x128xf32, #tpu.memory_space<hbm>>
    tpu.enqueue_indirect_dma source(%dma_start3A_13 : memref<100000x128xf32, #tpu.memory_space<hbm>>) target(%arg9 : memref<128x128xf32, #tpu.memory_space<vmem>>) offsets(%dma_start3A_10 : memref<128xi32, #tpu.memory_space<vmem>>) semaphore(%arg11 : memref<!tpu.dma_semaphore, #tpu.memory_space<semaphore_mem>>)
    %dma_wait3A = arith.constant 0 : i32
    %dma_wait3A_14 = tpu.memref_slice %arg7[%dma_wait3A] : memref<768xi32, #tpu.memory_space<vmem>> -> memref<128xi32, #tpu.memory_space<vmem>>
    %dma_wait3A_15 = arith.constant 0 : i32
    %dma_wait3A_16 = arith.constant 0 : i32
    %dma_wait3A_17 = tpu.memref_slice %arg5[%dma_wait3A_15, %dma_wait3A_16] : memref<100000x128xf32, #tpu.memory_space<hbm>> -> memref<100000x128xf32, #tpu.memory_space<hbm>>
    tpu.wait_indirect_dma semaphore(%arg10 : memref<!tpu.dma_semaphore, #tpu.memory_space<semaphore_mem>>) src(%dma_wait3A_17 : memref<100000x128xf32, #tpu.memory_space<hbm>>) dst(%arg8 : memref<128x128xf32, #tpu.memory_space<vmem>>)
    %mul3A_18 = arith.constant 256 : i32
    %mul3A_19 = arith.muli %add3A, %mul3A_18 : i32
    %add3A_20 = arith.constant 0 : i32
    %add3A_21 = arith.addi %mul3A_19, %add3A_20 : i32
    %run_scoped3A = arith.constant 0 : i32
    "tpu.region"() ({
      %run_scoped3A_92 = tpu.sem_alloc : memref<!tpu.dma_semaphore, #tpu.memory_space<semaphore_mem>>
      %dma_start3A_93 = arith.constant 0 : i32
      %dma_start3A_94 = tpu.memref_slice %arg6[%run_scoped3A, %add3A_21, %dma_start3A_93] : memref<3x8192x128xf32, #tpu.memory_space<hbm>> -> memref<1x128x128xf32, #tpu.memory_space<hbm>>
      %dma_start3A_95 = tpu.memref_squeeze %dma_start3A_94 : memref<1x128x128xf32, #tpu.memory_space<hbm>> -> memref<128x128xf32, #tpu.memory_space<hbm>>
      %dma_start3A_96 = arith.constant 0 : i32
      %dma_start3A_97 = tpu.memref_slice %arg6[%run_scoped3A, %add3A_21, %dma_start3A_96] : memref<3x8192x128xf32, #tpu.memory_space<hbm>> -> memref<1x128x128xf32, #tpu.memory_space<hbm>>
      %dma_start3A_98 = tpu.memref_squeeze %dma_start3A_97 : memref<1x128x128xf32, #tpu.memory_space<hbm>> -> memref<128x128xf32, #tpu.memory_space<hbm>>
      tpu.enqueue_dma source(%arg8 : memref<128x128xf32, #tpu.memory_space<vmem>>) target(%dma_start3A_98 : memref<128x128xf32, #tpu.memory_space<hbm>>) target_semaphore(%run_scoped3A_92 : memref<!tpu.dma_semaphore, #tpu.memory_space<semaphore_mem>>)
      %dma_wait3A_99 = arith.constant 0 : i32
      %dma_wait3A_100 = tpu.memref_slice %arg6[%run_scoped3A, %add3A_21, %dma_wait3A_99] : memref<3x8192x128xf32, #tpu.memory_space<hbm>> -> memref<1x128x128xf32, #tpu.memory_space<hbm>>
      %dma_wait3A_101 = tpu.memref_squeeze %dma_wait3A_100 : memref<1x128x128xf32, #tpu.memory_space<hbm>> -> memref<128x128xf32, #tpu.memory_space<hbm>>
      %dma_wait3A_102 = arith.constant 0 : i32
      %dma_wait3A_103 = tpu.memref_slice %arg6[%run_scoped3A, %add3A_21, %dma_wait3A_102] : memref<3x8192x128xf32, #tpu.memory_space<hbm>> -> memref<1x128x128xf32, #tpu.memory_space<hbm>>
      %dma_wait3A_104 = tpu.memref_squeeze %dma_wait3A_103 : memref<1x128x128xf32, #tpu.memory_space<hbm>> -> memref<128x128xf32, #tpu.memory_space<hbm>>
      tpu.wait_dma2 semaphore(%run_scoped3A_92 : memref<!tpu.dma_semaphore, #tpu.memory_space<semaphore_mem>>) src(%arg8 : memref<128x128xf32, #tpu.memory_space<vmem>>) dst(%dma_wait3A_104 : memref<128x128xf32, #tpu.memory_space<hbm>>)
      tpu.yield
    }) : () -> ()
    %dma_start3A_22 = arith.constant 256 : i32
    %dma_start3A_23 = tpu.memref_slice %arg7[%dma_start3A_22] : memref<768xi32, #tpu.memory_space<vmem>> -> memref<128xi32, #tpu.memory_space<vmem>>
    %dma_start3A_24 = arith.constant 0 : i32
    %dma_start3A_25 = arith.constant 0 : i32
    %dma_start3A_26 = tpu.memref_slice %arg5[%dma_start3A_24, %dma_start3A_25] : memref<100000x128xf32, #tpu.memory_space<hbm>> -> memref<100000x128xf32, #tpu.memory_space<hbm>>
    tpu.enqueue_indirect_dma source(%dma_start3A_26 : memref<100000x128xf32, #tpu.memory_space<hbm>>) target(%arg8 : memref<128x128xf32, #tpu.memory_space<vmem>>) offsets(%dma_start3A_23 : memref<128xi32, #tpu.memory_space<vmem>>) semaphore(%arg10 : memref<!tpu.dma_semaphore, #tpu.memory_space<semaphore_mem>>)
    %dma_wait3A_27 = arith.constant 128 : i32
    %dma_wait3A_28 = tpu.memref_slice %arg7[%dma_wait3A_27] : memref<768xi32, #tpu.memory_space<vmem>> -> memref<128xi32, #tpu.memory_space<vmem>>
    %dma_wait3A_29 = arith.constant 0 : i32
    %dma_wait3A_30 = arith.constant 0 : i32
    %dma_wait3A_31 = tpu.memref_slice %arg5[%dma_wait3A_29, %dma_wait3A_30] : memref<100000x128xf32, #tpu.memory_space<hbm>> -> memref<100000x128xf32, #tpu.memory_space<hbm>>
    tpu.wait_indirect_dma semaphore(%arg11 : memref<!tpu.dma_semaphore, #tpu.memory_space<semaphore_mem>>) src(%dma_wait3A_31 : memref<100000x128xf32, #tpu.memory_space<hbm>>) dst(%arg9 : memref<128x128xf32, #tpu.memory_space<vmem>>)
    %mul3A_32 = arith.constant 256 : i32
    %mul3A_33 = arith.muli %add3A, %mul3A_32 : i32
    %add3A_34 = arith.constant 128 : i32
    %add3A_35 = arith.addi %mul3A_33, %add3A_34 : i32
    %run_scoped3A_36 = arith.constant 0 : i32
    "tpu.region"() ({
      %run_scoped3A_92 = tpu.sem_alloc : memref<!tpu.dma_semaphore, #tpu.memory_space<semaphore_mem>>
      %dma_start3A_93 = arith.constant 0 : i32
      %dma_start3A_94 = tpu.memref_slice %arg6[%run_scoped3A_36, %add3A_35, %dma_start3A_93] : memref<3x8192x128xf32, #tpu.memory_space<hbm>> -> memref<1x128x128xf32, #tpu.memory_space<hbm>>
      %dma_start3A_95 = tpu.memref_squeeze %dma_start3A_94 : memref<1x128x128xf32, #tpu.memory_space<hbm>> -> memref<128x128xf32, #tpu.memory_space<hbm>>
      %dma_start3A_96 = arith.constant 0 : i32
      %dma_start3A_97 = tpu.memref_slice %arg6[%run_scoped3A_36, %add3A_35, %dma_start3A_96] : memref<3x8192x128xf32, #tpu.memory_space<hbm>> -> memref<1x128x128xf32, #tpu.memory_space<hbm>>
      %dma_start3A_98 = tpu.memref_squeeze %dma_start3A_97 : memref<1x128x128xf32, #tpu.memory_space<hbm>> -> memref<128x128xf32, #tpu.memory_space<hbm>>
      tpu.enqueue_dma source(%arg9 : memref<128x128xf32, #tpu.memory_space<vmem>>) target(%dma_start3A_98 : memref<128x128xf32, #tpu.memory_space<hbm>>) target_semaphore(%run_scoped3A_92 : memref<!tpu.dma_semaphore, #tpu.memory_space<semaphore_mem>>)
      %dma_wait3A_99 = arith.constant 0 : i32
      %dma_wait3A_100 = tpu.memref_slice %arg6[%run_scoped3A_36, %add3A_35, %dma_wait3A_99] : memref<3x8192x128xf32, #tpu.memory_space<hbm>> -> memref<1x128x128xf32, #tpu.memory_space<hbm>>
      %dma_wait3A_101 = tpu.memref_squeeze %dma_wait3A_100 : memref<1x128x128xf32, #tpu.memory_space<hbm>> -> memref<128x128xf32, #tpu.memory_space<hbm>>
      %dma_wait3A_102 = arith.constant 0 : i32
      %dma_wait3A_103 = tpu.memref_slice %arg6[%run_scoped3A_36, %add3A_35, %dma_wait3A_102] : memref<3x8192x128xf32, #tpu.memory_space<hbm>> -> memref<1x128x128xf32, #tpu.memory_space<hbm>>
      %dma_wait3A_104 = tpu.memref_squeeze %dma_wait3A_103 : memref<1x128x128xf32, #tpu.memory_space<hbm>> -> memref<128x128xf32, #tpu.memory_space<hbm>>
      tpu.wait_dma2 semaphore(%run_scoped3A_92 : memref<!tpu.dma_semaphore, #tpu.memory_space<semaphore_mem>>) src(%arg9 : memref<128x128xf32, #tpu.memory_space<vmem>>) dst(%dma_wait3A_104 : memref<128x128xf32, #tpu.memory_space<hbm>>)
      tpu.yield
    }) : () -> ()
    %dma_start3A_37 = arith.constant 384 : i32
    %dma_start3A_38 = tpu.memref_slice %arg7[%dma_start3A_37] : memref<768xi32, #tpu.memory_space<vmem>> -> memref<128xi32, #tpu.memory_space<vmem>>
    %dma_start3A_39 = arith.constant 0 : i32
    %dma_start3A_40 = arith.constant 0 : i32
    %dma_start3A_41 = tpu.memref_slice %arg5[%dma_start3A_39, %dma_start3A_40] : memref<100000x128xf32, #tpu.memory_space<hbm>> -> memref<100000x128xf32, #tpu.memory_space<hbm>>
    tpu.enqueue_indirect_dma source(%dma_start3A_41 : memref<100000x128xf32, #tpu.memory_space<hbm>>) target(%arg9 : memref<128x128xf32, #tpu.memory_space<vmem>>) offsets(%dma_start3A_38 : memref<128xi32, #tpu.memory_space<vmem>>) semaphore(%arg11 : memref<!tpu.dma_semaphore, #tpu.memory_space<semaphore_mem>>)
    %dma_wait3A_42 = arith.constant 256 : i32
    %dma_wait3A_43 = tpu.memref_slice %arg7[%dma_wait3A_42] : memref<768xi32, #tpu.memory_space<vmem>> -> memref<128xi32, #tpu.memory_space<vmem>>
    %dma_wait3A_44 = arith.constant 0 : i32
    %dma_wait3A_45 = arith.constant 0 : i32
    %dma_wait3A_46 = tpu.memref_slice %arg5[%dma_wait3A_44, %dma_wait3A_45] : memref<100000x128xf32, #tpu.memory_space<hbm>> -> memref<100000x128xf32, #tpu.memory_space<hbm>>
    tpu.wait_indirect_dma semaphore(%arg10 : memref<!tpu.dma_semaphore, #tpu.memory_space<semaphore_mem>>) src(%dma_wait3A_46 : memref<100000x128xf32, #tpu.memory_space<hbm>>) dst(%arg8 : memref<128x128xf32, #tpu.memory_space<vmem>>)
    %mul3A_47 = arith.constant 256 : i32
    %mul3A_48 = arith.muli %add3A, %mul3A_47 : i32
    %add3A_49 = arith.constant 0 : i32
    %add3A_50 = arith.addi %mul3A_48, %add3A_49 : i32
    %run_scoped3A_51 = arith.constant 1 : i32
    "tpu.region"() ({
      %run_scoped3A_92 = tpu.sem_alloc : memref<!tpu.dma_semaphore, #tpu.memory_space<semaphore_mem>>
      %dma_start3A_93 = arith.constant 0 : i32
      %dma_start3A_94 = tpu.memref_slice %arg6[%run_scoped3A_51, %add3A_50, %dma_start3A_93] : memref<3x8192x128xf32, #tpu.memory_space<hbm>> -> memref<1x128x128xf32, #tpu.memory_space<hbm>>
      %dma_start3A_95 = tpu.memref_squeeze %dma_start3A_94 : memref<1x128x128xf32, #tpu.memory_space<hbm>> -> memref<128x128xf32, #tpu.memory_space<hbm>>
      %dma_start3A_96 = arith.constant 0 : i32
      %dma_start3A_97 = tpu.memref_slice %arg6[%run_scoped3A_51, %add3A_50, %dma_start3A_96] : memref<3x8192x128xf32, #tpu.memory_space<hbm>> -> memref<1x128x128xf32, #tpu.memory_space<hbm>>
      %dma_start3A_98 = tpu.memref_squeeze %dma_start3A_97 : memref<1x128x128xf32, #tpu.memory_space<hbm>> -> memref<128x128xf32, #tpu.memory_space<hbm>>
      tpu.enqueue_dma source(%arg8 : memref<128x128xf32, #tpu.memory_space<vmem>>) target(%dma_start3A_98 : memref<128x128xf32, #tpu.memory_space<hbm>>) target_semaphore(%run_scoped3A_92 : memref<!tpu.dma_semaphore, #tpu.memory_space<semaphore_mem>>)
      %dma_wait3A_99 = arith.constant 0 : i32
      %dma_wait3A_100 = tpu.memref_slice %arg6[%run_scoped3A_51, %add3A_50, %dma_wait3A_99] : memref<3x8192x128xf32, #tpu.memory_space<hbm>> -> memref<1x128x128xf32, #tpu.memory_space<hbm>>
      %dma_wait3A_101 = tpu.memref_squeeze %dma_wait3A_100 : memref<1x128x128xf32, #tpu.memory_space<hbm>> -> memref<128x128xf32, #tpu.memory_space<hbm>>
      %dma_wait3A_102 = arith.constant 0 : i32
      %dma_wait3A_103 = tpu.memref_slice %arg6[%run_scoped3A_51, %add3A_50, %dma_wait3A_102] : memref<3x8192x128xf32, #tpu.memory_space<hbm>> -> memref<1x128x128xf32, #tpu.memory_space<hbm>>
      %dma_wait3A_104 = tpu.memref_squeeze %dma_wait3A_103 : memref<1x128x128xf32, #tpu.memory_space<hbm>> -> memref<128x128xf32, #tpu.memory_space<hbm>>
      tpu.wait_dma2 semaphore(%run_scoped3A_92 : memref<!tpu.dma_semaphore, #tpu.memory_space<semaphore_mem>>) src(%arg8 : memref<128x128xf32, #tpu.memory_space<vmem>>) dst(%dma_wait3A_104 : memref<128x128xf32, #tpu.memory_space<hbm>>)
      tpu.yield
    }) : () -> ()
    %dma_start3A_52 = arith.constant 512 : i32
    %dma_start3A_53 = tpu.memref_slice %arg7[%dma_start3A_52] : memref<768xi32, #tpu.memory_space<vmem>> -> memref<128xi32, #tpu.memory_space<vmem>>
    %dma_start3A_54 = arith.constant 0 : i32
    %dma_start3A_55 = arith.constant 0 : i32
    %dma_start3A_56 = tpu.memref_slice %arg5[%dma_start3A_54, %dma_start3A_55] : memref<100000x128xf32, #tpu.memory_space<hbm>> -> memref<100000x128xf32, #tpu.memory_space<hbm>>
    tpu.enqueue_indirect_dma source(%dma_start3A_56 : memref<100000x128xf32, #tpu.memory_space<hbm>>) target(%arg8 : memref<128x128xf32, #tpu.memory_space<vmem>>) offsets(%dma_start3A_53 : memref<128xi32, #tpu.memory_space<vmem>>) semaphore(%arg10 : memref<!tpu.dma_semaphore, #tpu.memory_space<semaphore_mem>>)
    %dma_wait3A_57 = arith.constant 384 : i32
    %dma_wait3A_58 = tpu.memref_slice %arg7[%dma_wait3A_57] : memref<768xi32, #tpu.memory_space<vmem>> -> memref<128xi32, #tpu.memory_space<vmem>>
    %dma_wait3A_59 = arith.constant 0 : i32
    %dma_wait3A_60 = arith.constant 0 : i32
    %dma_wait3A_61 = tpu.memref_slice %arg5[%dma_wait3A_59, %dma_wait3A_60] : memref<100000x128xf32, #tpu.memory_space<hbm>> -> memref<100000x128xf32, #tpu.memory_space<hbm>>
    tpu.wait_indirect_dma semaphore(%arg11 : memref<!tpu.dma_semaphore, #tpu.memory_space<semaphore_mem>>) src(%dma_wait3A_61 : memref<100000x128xf32, #tpu.memory_space<hbm>>) dst(%arg9 : memref<128x128xf32, #tpu.memory_space<vmem>>)
    %mul3A_62 = arith.constant 256 : i32
    %mul3A_63 = arith.muli %add3A, %mul3A_62 : i32
    %add3A_64 = arith.constant 128 : i32
    %add3A_65 = arith.addi %mul3A_63, %add3A_64 : i32
    %run_scoped3A_66 = arith.constant 1 : i32
    "tpu.region"() ({
      %run_scoped3A_92 = tpu.sem_alloc : memref<!tpu.dma_semaphore, #tpu.memory_space<semaphore_mem>>
      %dma_start3A_93 = arith.constant 0 : i32
      %dma_start3A_94 = tpu.memref_slice %arg6[%run_scoped3A_66, %add3A_65, %dma_start3A_93] : memref<3x8192x128xf32, #tpu.memory_space<hbm>> -> memref<1x128x128xf32, #tpu.memory_space<hbm>>
      %dma_start3A_95 = tpu.memref_squeeze %dma_start3A_94 : memref<1x128x128xf32, #tpu.memory_space<hbm>> -> memref<128x128xf32, #tpu.memory_space<hbm>>
      %dma_start3A_96 = arith.constant 0 : i32
      %dma_start3A_97 = tpu.memref_slice %arg6[%run_scoped3A_66, %add3A_65, %dma_start3A_96] : memref<3x8192x128xf32, #tpu.memory_space<hbm>> -> memref<1x128x128xf32, #tpu.memory_space<hbm>>
      %dma_start3A_98 = tpu.memref_squeeze %dma_start3A_97 : memref<1x128x128xf32, #tpu.memory_space<hbm>> -> memref<128x128xf32, #tpu.memory_space<hbm>>
      tpu.enqueue_dma source(%arg9 : memref<128x128xf32, #tpu.memory_space<vmem>>) target(%dma_start3A_98 : memref<128x128xf32, #tpu.memory_space<hbm>>) target_semaphore(%run_scoped3A_92 : memref<!tpu.dma_semaphore, #tpu.memory_space<semaphore_mem>>)
      %dma_wait3A_99 = arith.constant 0 : i32
      %dma_wait3A_100 = tpu.memref_slice %arg6[%run_scoped3A_66, %add3A_65, %dma_wait3A_99] : memref<3x8192x128xf32, #tpu.memory_space<hbm>> -> memref<1x128x128xf32, #tpu.memory_space<hbm>>
      %dma_wait3A_101 = tpu.memref_squeeze %dma_wait3A_100 : memref<1x128x128xf32, #tpu.memory_space<hbm>> -> memref<128x128xf32, #tpu.memory_space<hbm>>
      %dma_wait3A_102 = arith.constant 0 : i32
      %dma_wait3A_103 = tpu.memref_slice %arg6[%run_scoped3A_66, %add3A_65, %dma_wait3A_102] : memref<3x8192x128xf32, #tpu.memory_space<hbm>> -> memref<1x128x128xf32, #tpu.memory_space<hbm>>
      %dma_wait3A_104 = tpu.memref_squeeze %dma_wait3A_103 : memref<1x128x128xf32, #tpu.memory_space<hbm>> -> memref<128x128xf32, #tpu.memory_space<hbm>>
      tpu.wait_dma2 semaphore(%run_scoped3A_92 : memref<!tpu.dma_semaphore, #tpu.memory_space<semaphore_mem>>) src(%arg9 : memref<128x128xf32, #tpu.memory_space<vmem>>) dst(%dma_wait3A_104 : memref<128x128xf32, #tpu.memory_space<hbm>>)
      tpu.yield
    }) : () -> ()
    %dma_start3A_67 = arith.constant 640 : i32
    %dma_start3A_68 = tpu.memref_slice %arg7[%dma_start3A_67] : memref<768xi32, #tpu.memory_space<vmem>> -> memref<128xi32, #tpu.memory_space<vmem>>
    %dma_start3A_69 = arith.constant 0 : i32
    %dma_start3A_70 = arith.constant 0 : i32
    %dma_start3A_71 = tpu.memref_slice %arg5[%dma_start3A_69, %dma_start3A_70] : memref<100000x128xf32, #tpu.memory_space<hbm>> -> memref<100000x128xf32, #tpu.memory_space<hbm>>
    tpu.enqueue_indirect_dma source(%dma_start3A_71 : memref<100000x128xf32, #tpu.memory_space<hbm>>) target(%arg9 : memref<128x128xf32, #tpu.memory_space<vmem>>) offsets(%dma_start3A_68 : memref<128xi32, #tpu.memory_space<vmem>>) semaphore(%arg11 : memref<!tpu.dma_semaphore, #tpu.memory_space<semaphore_mem>>)
    %dma_wait3A_72 = arith.constant 512 : i32
    %dma_wait3A_73 = tpu.memref_slice %arg7[%dma_wait3A_72] : memref<768xi32, #tpu.memory_space<vmem>> -> memref<128xi32, #tpu.memory_space<vmem>>
    %dma_wait3A_74 = arith.constant 0 : i32
    %dma_wait3A_75 = arith.constant 0 : i32
    %dma_wait3A_76 = tpu.memref_slice %arg5[%dma_wait3A_74, %dma_wait3A_75] : memref<100000x128xf32, #tpu.memory_space<hbm>> -> memref<100000x128xf32, #tpu.memory_space<hbm>>
    tpu.wait_indirect_dma semaphore(%arg10 : memref<!tpu.dma_semaphore, #tpu.memory_space<semaphore_mem>>) src(%dma_wait3A_76 : memref<100000x128xf32, #tpu.memory_space<hbm>>) dst(%arg8 : memref<128x128xf32, #tpu.memory_space<vmem>>)
    %mul3A_77 = arith.constant 256 : i32
    %mul3A_78 = arith.muli %add3A, %mul3A_77 : i32
    %add3A_79 = arith.constant 0 : i32
    %add3A_80 = arith.addi %mul3A_78, %add3A_79 : i32
    %run_scoped3A_81 = arith.constant 2 : i32
    "tpu.region"() ({
      %run_scoped3A_92 = tpu.sem_alloc : memref<!tpu.dma_semaphore, #tpu.memory_space<semaphore_mem>>
      %dma_start3A_93 = arith.constant 0 : i32
      %dma_start3A_94 = tpu.memref_slice %arg6[%run_scoped3A_81, %add3A_80, %dma_start3A_93] : memref<3x8192x128xf32, #tpu.memory_space<hbm>> -> memref<1x128x128xf32, #tpu.memory_space<hbm>>
      %dma_start3A_95 = tpu.memref_squeeze %dma_start3A_94 : memref<1x128x128xf32, #tpu.memory_space<hbm>> -> memref<128x128xf32, #tpu.memory_space<hbm>>
      %dma_start3A_96 = arith.constant 0 : i32
      %dma_start3A_97 = tpu.memref_slice %arg6[%run_scoped3A_81, %add3A_80, %dma_start3A_96] : memref<3x8192x128xf32, #tpu.memory_space<hbm>> -> memref<1x128x128xf32, #tpu.memory_space<hbm>>
      %dma_start3A_98 = tpu.memref_squeeze %dma_start3A_97 : memref<1x128x128xf32, #tpu.memory_space<hbm>> -> memref<128x128xf32, #tpu.memory_space<hbm>>
      tpu.enqueue_dma source(%arg8 : memref<128x128xf32, #tpu.memory_space<vmem>>) target(%dma_start3A_98 : memref<128x128xf32, #tpu.memory_space<hbm>>) target_semaphore(%run_scoped3A_92 : memref<!tpu.dma_semaphore, #tpu.memory_space<semaphore_mem>>)
      %dma_wait3A_99 = arith.constant 0 : i32
      %dma_wait3A_100 = tpu.memref_slice %arg6[%run_scoped3A_81, %add3A_80, %dma_wait3A_99] : memref<3x8192x128xf32, #tpu.memory_space<hbm>> -> memref<1x128x128xf32, #tpu.memory_space<hbm>>
      %dma_wait3A_101 = tpu.memref_squeeze %dma_wait3A_100 : memref<1x128x128xf32, #tpu.memory_space<hbm>> -> memref<128x128xf32, #tpu.memory_space<hbm>>
      %dma_wait3A_102 = arith.constant 0 : i32
      %dma_wait3A_103 = tpu.memref_slice %arg6[%run_scoped3A_81, %add3A_80, %dma_wait3A_102] : memref<3x8192x128xf32, #tpu.memory_space<hbm>> -> memref<1x128x128xf32, #tpu.memory_space<hbm>>
      %dma_wait3A_104 = tpu.memref_squeeze %dma_wait3A_103 : memref<1x128x128xf32, #tpu.memory_space<hbm>> -> memref<128x128xf32, #tpu.memory_space<hbm>>
      tpu.wait_dma2 semaphore(%run_scoped3A_92 : memref<!tpu.dma_semaphore, #tpu.memory_space<semaphore_mem>>) src(%arg8 : memref<128x128xf32, #tpu.memory_space<vmem>>) dst(%dma_wait3A_104 : memref<128x128xf32, #tpu.memory_space<hbm>>)
      tpu.yield
    }) : () -> ()
    %dma_wait3A_82 = arith.constant 640 : i32
    %dma_wait3A_83 = tpu.memref_slice %arg7[%dma_wait3A_82] : memref<768xi32, #tpu.memory_space<vmem>> -> memref<128xi32, #tpu.memory_space<vmem>>
    %dma_wait3A_84 = arith.constant 0 : i32
    %dma_wait3A_85 = arith.constant 0 : i32
    %dma_wait3A_86 = tpu.memref_slice %arg5[%dma_wait3A_84, %dma_wait3A_85] : memref<100000x128xf32, #tpu.memory_space<hbm>> -> memref<100000x128xf32, #tpu.memory_space<hbm>>
    tpu.wait_indirect_dma semaphore(%arg11 : memref<!tpu.dma_semaphore, #tpu.memory_space<semaphore_mem>>) src(%dma_wait3A_86 : memref<100000x128xf32, #tpu.memory_space<hbm>>) dst(%arg9 : memref<128x128xf32, #tpu.memory_space<vmem>>)
    %mul3A_87 = arith.constant 256 : i32
    %mul3A_88 = arith.muli %add3A, %mul3A_87 : i32
    %add3A_89 = arith.constant 128 : i32
    %add3A_90 = arith.addi %mul3A_88, %add3A_89 : i32
    %run_scoped3A_91 = arith.constant 2 : i32
    "tpu.region"() ({
      %run_scoped3A_92 = tpu.sem_alloc : memref<!tpu.dma_semaphore, #tpu.memory_space<semaphore_mem>>
      %dma_start3A_93 = arith.constant 0 : i32
      %dma_start3A_94 = tpu.memref_slice %arg6[%run_scoped3A_91, %add3A_90, %dma_start3A_93] : memref<3x8192x128xf32, #tpu.memory_space<hbm>> -> memref<1x128x128xf32, #tpu.memory_space<hbm>>
      %dma_start3A_95 = tpu.memref_squeeze %dma_start3A_94 : memref<1x128x128xf32, #tpu.memory_space<hbm>> -> memref<128x128xf32, #tpu.memory_space<hbm>>
      %dma_start3A_96 = arith.constant 0 : i32
      %dma_start3A_97 = tpu.memref_slice %arg6[%run_scoped3A_91, %add3A_90, %dma_start3A_96] : memref<3x8192x128xf32, #tpu.memory_space<hbm>> -> memref<1x128x128xf32, #tpu.memory_space<hbm>>
      %dma_start3A_98 = tpu.memref_squeeze %dma_start3A_97 : memref<1x128x128xf32, #tpu.memory_space<hbm>> -> memref<128x128xf32, #tpu.memory_space<hbm>>
      tpu.enqueue_dma source(%arg9 : memref<128x128xf32, #tpu.memory_space<vmem>>) target(%dma_start3A_98 : memref<128x128xf32, #tpu.memory_space<hbm>>) target_semaphore(%run_scoped3A_92 : memref<!tpu.dma_semaphore, #tpu.memory_space<semaphore_mem>>)
      %dma_wait3A_99 = arith.constant 0 : i32
      %dma_wait3A_100 = tpu.memref_slice %arg6[%run_scoped3A_91, %add3A_90, %dma_wait3A_99] : memref<3x8192x128xf32, #tpu.memory_space<hbm>> -> memref<1x128x128xf32, #tpu.memory_space<hbm>>
      %dma_wait3A_101 = tpu.memref_squeeze %dma_wait3A_100 : memref<1x128x128xf32, #tpu.memory_space<hbm>> -> memref<128x128xf32, #tpu.memory_space<hbm>>
      %dma_wait3A_102 = arith.constant 0 : i32
      %dma_wait3A_103 = tpu.memref_slice %arg6[%run_scoped3A_91, %add3A_90, %dma_wait3A_102] : memref<3x8192x128xf32, #tpu.memory_space<hbm>> -> memref<1x128x128xf32, #tpu.memory_space<hbm>>
      %dma_wait3A_104 = tpu.memref_squeeze %dma_wait3A_103 : memref<1x128x128xf32, #tpu.memory_space<hbm>> -> memref<128x128xf32, #tpu.memory_space<hbm>>
      tpu.wait_dma2 semaphore(%run_scoped3A_92 : memref<!tpu.dma_semaphore, #tpu.memory_space<semaphore_mem>>) src(%arg9 : memref<128x128xf32, #tpu.memory_space<vmem>>) dst(%dma_wait3A_104 : memref<128x128xf32, #tpu.memory_space<hbm>>)
      tpu.yield
    }) : () -> ()
    return
  }
}

#map = affine_map<(d0, d1) -> (0)>
#map1 = affine_map<(d0, d1) -> (0, 0)>
#map2 = affine_map<(d0, d1) -> (0, 0, 0)>
module attributes {stable_mosaic.version = 14 : i64} {
  func.func @_sc_gather_body(%arg0: i32, %arg1: i32, %arg2: memref<16384xi32, #tpu.memory_space<hbm>>, %arg3: memref<16384xi32, #tpu.memory_space<hbm>>, %arg4: memref<16384xi32, #tpu.memory_space<hbm>>, %arg5: memref<100000x128xf32, #tpu.memory_space<hbm>>, %arg6: memref<3x8192x128xf32, #tpu.memory_space<hbm>>, %arg7: memref<768xi32, #tpu.memory_space<vmem>>, %arg8: memref<128x128xf32, #tpu.memory_space<vmem>>, %arg9: memref<128x128xf32, #tpu.memory_space<vmem>>, %arg10: memref<!tpu.dma_semaphore, #tpu.memory_space<semaphore_mem>>, %arg11: memref<!tpu.dma_semaphore, #tpu.memory_space<semaphore_mem>>) attributes {dimension_semantics = [#tpu.dimension_semantics<core_parallel>, #tpu.dimension_semantics<subcore_parallel>], iteration_bounds = array<i64: 2, 16>, scalar_prefetch = 0 : i64, scratch_operands = 5 : i64, tpu.core_type = #tpu.core_type<sc_vector_subcore>, window_params = [{transform_indices = #map}, {transform_indices = #map}, {transform_indices = #map}, {transform_indices = #map1}, {transform_indices = #map2}]} {
    %mul3A = arith.constant 2 : i32
    %mul3A_0 = arith.muli %arg1, %mul3A : i32
    %add3A = arith.addi %mul3A_0, %arg0 : i32
    %mul3A_1 = arith.constant 256 : i32
    %mul3A_2 = arith.muli %add3A, %mul3A_1 : i32
    %add3A_3 = arith.constant 0 : i32
    %add3A_4 = arith.addi %add3A_3, %mul3A_2 : i32
    "tpu.region"() ({
      %run_scoped3A_92 = tpu.sem_alloc : memref<!tpu.dma_semaphore, #tpu.memory_space<semaphore_mem>>
      %dma_start3A_93 = arith.constant 0 : i32
      %dma_start3A_94 = tpu.memref_slice %arg7[%dma_start3A_93] : memref<768xi32, #tpu.memory_space<vmem>> -> memref<256xi32, #tpu.memory_space<vmem>>
      %dma_start3A_95 = tpu.memref_slice %arg2[%add3A_4] : memref<16384xi32, #tpu.memory_space<hbm>> -> memref<256xi32, #tpu.memory_space<hbm>>
      %dma_start3A_96 = arith.constant 0 : i32
      %dma_start3A_97 = tpu.memref_slice %arg7[%dma_start3A_96] : memref<768xi32, #tpu.memory_space<vmem>> -> memref<256xi32, #tpu.memory_space<vmem>>
      %dma_start3A_98 = tpu.memref_slice %arg2[%add3A_4] : memref<16384xi32, #tpu.memory_space<hbm>> -> memref<256xi32, #tpu.memory_space<hbm>>
      tpu.enqueue_dma source(%dma_start3A_98 : memref<256xi32, #tpu.memory_space<hbm>>) target(%dma_start3A_97 : memref<256xi32, #tpu.memory_space<vmem>>) target_semaphore(%run_scoped3A_92 : memref<!tpu.dma_semaphore, #tpu.memory_space<semaphore_mem>>)
      %dma_wait3A_99 = arith.constant 0 : i32
      %dma_wait3A_100 = tpu.memref_slice %arg7[%dma_wait3A_99] : memref<768xi32, #tpu.memory_space<vmem>> -> memref<256xi32, #tpu.memory_space<vmem>>
      %dma_wait3A_101 = tpu.memref_slice %arg2[%add3A_4] : memref<16384xi32, #tpu.memory_space<hbm>> -> memref<256xi32, #tpu.memory_space<hbm>>
      %dma_wait3A_102 = arith.constant 0 : i32
      %dma_wait3A_103 = tpu.memref_slice %arg7[%dma_wait3A_102] : memref<768xi32, #tpu.memory_space<vmem>> -> memref<256xi32, #tpu.memory_space<vmem>>
      %dma_wait3A_104 = tpu.memref_slice %arg2[%add3A_4] : memref<16384xi32, #tpu.memory_space<hbm>> -> memref<256xi32, #tpu.memory_space<hbm>>
      tpu.wait_dma2 semaphore(%run_scoped3A_92 : memref<!tpu.dma_semaphore, #tpu.memory_space<semaphore_mem>>) src(%dma_wait3A_104 : memref<256xi32, #tpu.memory_space<hbm>>) dst(%dma_wait3A_103 : memref<256xi32, #tpu.memory_space<vmem>>)
      tpu.yield
    }) : () -> ()
    "tpu.region"() ({
      %run_scoped3A_92 = tpu.sem_alloc : memref<!tpu.dma_semaphore, #tpu.memory_space<semaphore_mem>>
      %dma_start3A_93 = arith.constant 256 : i32
      %dma_start3A_94 = tpu.memref_slice %arg7[%dma_start3A_93] : memref<768xi32, #tpu.memory_space<vmem>> -> memref<256xi32, #tpu.memory_space<vmem>>
      %dma_start3A_95 = tpu.memref_slice %arg3[%add3A_4] : memref<16384xi32, #tpu.memory_space<hbm>> -> memref<256xi32, #tpu.memory_space<hbm>>
      %dma_start3A_96 = arith.constant 256 : i32
      %dma_start3A_97 = tpu.memref_slice %arg7[%dma_start3A_96] : memref<768xi32, #tpu.memory_space<vmem>> -> memref<256xi32, #tpu.memory_space<vmem>>
      %dma_start3A_98 = tpu.memref_slice %arg3[%add3A_4] : memref<16384xi32, #tpu.memory_space<hbm>> -> memref<256xi32, #tpu.memory_space<hbm>>
      tpu.enqueue_dma source(%dma_start3A_98 : memref<256xi32, #tpu.memory_space<hbm>>) target(%dma_start3A_97 : memref<256xi32, #tpu.memory_space<vmem>>) target_semaphore(%run_scoped3A_92 : memref<!tpu.dma_semaphore, #tpu.memory_space<semaphore_mem>>)
      %dma_wait3A_99 = arith.constant 256 : i32
      %dma_wait3A_100 = tpu.memref_slice %arg7[%dma_wait3A_99] : memref<768xi32, #tpu.memory_space<vmem>> -> memref<256xi32, #tpu.memory_space<vmem>>
      %dma_wait3A_101 = tpu.memref_slice %arg3[%add3A_4] : memref<16384xi32, #tpu.memory_space<hbm>> -> memref<256xi32, #tpu.memory_space<hbm>>
      %dma_wait3A_102 = arith.constant 256 : i32
      %dma_wait3A_103 = tpu.memref_slice %arg7[%dma_wait3A_102] : memref<768xi32, #tpu.memory_space<vmem>> -> memref<256xi32, #tpu.memory_space<vmem>>
      %dma_wait3A_104 = tpu.memref_slice %arg3[%add3A_4] : memref<16384xi32, #tpu.memory_space<hbm>> -> memref<256xi32, #tpu.memory_space<hbm>>
      tpu.wait_dma2 semaphore(%run_scoped3A_92 : memref<!tpu.dma_semaphore, #tpu.memory_space<semaphore_mem>>) src(%dma_wait3A_104 : memref<256xi32, #tpu.memory_space<hbm>>) dst(%dma_wait3A_103 : memref<256xi32, #tpu.memory_space<vmem>>)
      tpu.yield
    }) : () -> ()
    "tpu.region"() ({
      %run_scoped3A_92 = tpu.sem_alloc : memref<!tpu.dma_semaphore, #tpu.memory_space<semaphore_mem>>
      %dma_start3A_93 = arith.constant 512 : i32
      %dma_start3A_94 = tpu.memref_slice %arg7[%dma_start3A_93] : memref<768xi32, #tpu.memory_space<vmem>> -> memref<256xi32, #tpu.memory_space<vmem>>
      %dma_start3A_95 = tpu.memref_slice %arg4[%add3A_4] : memref<16384xi32, #tpu.memory_space<hbm>> -> memref<256xi32, #tpu.memory_space<hbm>>
      %dma_start3A_96 = arith.constant 512 : i32
      %dma_start3A_97 = tpu.memref_slice %arg7[%dma_start3A_96] : memref<768xi32, #tpu.memory_space<vmem>> -> memref<256xi32, #tpu.memory_space<vmem>>
      %dma_start3A_98 = tpu.memref_slice %arg4[%add3A_4] : memref<16384xi32, #tpu.memory_space<hbm>> -> memref<256xi32, #tpu.memory_space<hbm>>
      tpu.enqueue_dma source(%dma_start3A_98 : memref<256xi32, #tpu.memory_space<hbm>>) target(%dma_start3A_97 : memref<256xi32, #tpu.memory_space<vmem>>) target_semaphore(%run_scoped3A_92 : memref<!tpu.dma_semaphore, #tpu.memory_space<semaphore_mem>>)
      %dma_wait3A_99 = arith.constant 512 : i32
      %dma_wait3A_100 = tpu.memref_slice %arg7[%dma_wait3A_99] : memref<768xi32, #tpu.memory_space<vmem>> -> memref<256xi32, #tpu.memory_space<vmem>>
      %dma_wait3A_101 = tpu.memref_slice %arg4[%add3A_4] : memref<16384xi32, #tpu.memory_space<hbm>> -> memref<256xi32, #tpu.memory_space<hbm>>
      %dma_wait3A_102 = arith.constant 512 : i32
      %dma_wait3A_103 = tpu.memref_slice %arg7[%dma_wait3A_102] : memref<768xi32, #tpu.memory_space<vmem>> -> memref<256xi32, #tpu.memory_space<vmem>>
      %dma_wait3A_104 = tpu.memref_slice %arg4[%add3A_4] : memref<16384xi32, #tpu.memory_space<hbm>> -> memref<256xi32, #tpu.memory_space<hbm>>
      tpu.wait_dma2 semaphore(%run_scoped3A_92 : memref<!tpu.dma_semaphore, #tpu.memory_space<semaphore_mem>>) src(%dma_wait3A_104 : memref<256xi32, #tpu.memory_space<hbm>>) dst(%dma_wait3A_103 : memref<256xi32, #tpu.memory_space<vmem>>)
      tpu.yield
    }) : () -> ()
    %dma_start3A = arith.constant 0 : i32
    %dma_start3A_5 = tpu.memref_slice %arg7[%dma_start3A] : memref<768xi32, #tpu.memory_space<vmem>> -> memref<128xi32, #tpu.memory_space<vmem>>
    %dma_start3A_6 = arith.constant 0 : i32
    %dma_start3A_7 = arith.constant 0 : i32
    %dma_start3A_8 = tpu.memref_slice %arg5[%dma_start3A_6, %dma_start3A_7] : memref<100000x128xf32, #tpu.memory_space<hbm>> -> memref<100000x128xf32, #tpu.memory_space<hbm>>
    tpu.enqueue_indirect_dma source(%dma_start3A_8 : memref<100000x128xf32, #tpu.memory_space<hbm>>) target(%arg8 : memref<128x128xf32, #tpu.memory_space<vmem>>) offsets(%dma_start3A_5 : memref<128xi32, #tpu.memory_space<vmem>>) semaphore(%arg10 : memref<!tpu.dma_semaphore, #tpu.memory_space<semaphore_mem>>)
    %dma_start3A_9 = arith.constant 128 : i32
    %dma_start3A_10 = tpu.memref_slice %arg7[%dma_start3A_9] : memref<768xi32, #tpu.memory_space<vmem>> -> memref<128xi32, #tpu.memory_space<vmem>>
    %dma_start3A_11 = arith.constant 0 : i32
    %dma_start3A_12 = arith.constant 0 : i32
    %dma_start3A_13 = tpu.memref_slice %arg5[%dma_start3A_11, %dma_start3A_12] : memref<100000x128xf32, #tpu.memory_space<hbm>> -> memref<100000x128xf32, #tpu.memory_space<hbm>>
    tpu.enqueue_indirect_dma source(%dma_start3A_13 : memref<100000x128xf32, #tpu.memory_space<hbm>>) target(%arg9 : memref<128x128xf32, #tpu.memory_space<vmem>>) offsets(%dma_start3A_10 : memref<128xi32, #tpu.memory_space<vmem>>) semaphore(%arg11 : memref<!tpu.dma_semaphore, #tpu.memory_space<semaphore_mem>>)
    %dma_wait3A = arith.constant 0 : i32
    %dma_wait3A_14 = tpu.memref_slice %arg7[%dma_wait3A] : memref<768xi32, #tpu.memory_space<vmem>> -> memref<128xi32, #tpu.memory_space<vmem>>
    %dma_wait3A_15 = arith.constant 0 : i32
    %dma_wait3A_16 = arith.constant 0 : i32
    %dma_wait3A_17 = tpu.memref_slice %arg5[%dma_wait3A_15, %dma_wait3A_16] : memref<100000x128xf32, #tpu.memory_space<hbm>> -> memref<100000x128xf32, #tpu.memory_space<hbm>>
    tpu.wait_indirect_dma semaphore(%arg10 : memref<!tpu.dma_semaphore, #tpu.memory_space<semaphore_mem>>) src(%dma_wait3A_17 : memref<100000x128xf32, #tpu.memory_space<hbm>>) dst(%arg8 : memref<128x128xf32, #tpu.memory_space<vmem>>)
    %mul3A_18 = arith.constant 256 : i32
    %mul3A_19 = arith.muli %add3A, %mul3A_18 : i32
    %add3A_20 = arith.constant 0 : i32
    %add3A_21 = arith.addi %mul3A_19, %add3A_20 : i32
    %run_scoped3A = arith.constant 0 : i32
    "tpu.region"() ({
      %run_scoped3A_92 = tpu.sem_alloc : memref<!tpu.dma_semaphore, #tpu.memory_space<semaphore_mem>>
      %dma_start3A_93 = arith.constant 0 : i32
      %dma_start3A_94 = tpu.memref_slice %arg6[%run_scoped3A, %add3A_21, %dma_start3A_93] : memref<3x8192x128xf32, #tpu.memory_space<hbm>> -> memref<1x128x128xf32, #tpu.memory_space<hbm>>
      %dma_start3A_95 = tpu.memref_squeeze %dma_start3A_94 : memref<1x128x128xf32, #tpu.memory_space<hbm>> -> memref<128x128xf32, #tpu.memory_space<hbm>>
      %dma_start3A_96 = arith.constant 0 : i32
      %dma_start3A_97 = tpu.memref_slice %arg6[%run_scoped3A, %add3A_21, %dma_start3A_96] : memref<3x8192x128xf32, #tpu.memory_space<hbm>> -> memref<1x128x128xf32, #tpu.memory_space<hbm>>
      %dma_start3A_98 = tpu.memref_squeeze %dma_start3A_97 : memref<1x128x128xf32, #tpu.memory_space<hbm>> -> memref<128x128xf32, #tpu.memory_space<hbm>>
      tpu.enqueue_dma source(%arg8 : memref<128x128xf32, #tpu.memory_space<vmem>>) target(%dma_start3A_98 : memref<128x128xf32, #tpu.memory_space<hbm>>) target_semaphore(%run_scoped3A_92 : memref<!tpu.dma_semaphore, #tpu.memory_space<semaphore_mem>>)
      %dma_wait3A_99 = arith.constant 0 : i32
      %dma_wait3A_100 = tpu.memref_slice %arg6[%run_scoped3A, %add3A_21, %dma_wait3A_99] : memref<3x8192x128xf32, #tpu.memory_space<hbm>> -> memref<1x128x128xf32, #tpu.memory_space<hbm>>
      %dma_wait3A_101 = tpu.memref_squeeze %dma_wait3A_100 : memref<1x128x128xf32, #tpu.memory_space<hbm>> -> memref<128x128xf32, #tpu.memory_space<hbm>>
      %dma_wait3A_102 = arith.constant 0 : i32
      %dma_wait3A_103 = tpu.memref_slice %arg6[%run_scoped3A, %add3A_21, %dma_wait3A_102] : memref<3x8192x128xf32, #tpu.memory_space<hbm>> -> memref<1x128x128xf32, #tpu.memory_space<hbm>>
      %dma_wait3A_104 = tpu.memref_squeeze %dma_wait3A_103 : memref<1x128x128xf32, #tpu.memory_space<hbm>> -> memref<128x128xf32, #tpu.memory_space<hbm>>
      tpu.wait_dma2 semaphore(%run_scoped3A_92 : memref<!tpu.dma_semaphore, #tpu.memory_space<semaphore_mem>>) src(%arg8 : memref<128x128xf32, #tpu.memory_space<vmem>>) dst(%dma_wait3A_104 : memref<128x128xf32, #tpu.memory_space<hbm>>)
      tpu.yield
    }) : () -> ()
    %dma_start3A_22 = arith.constant 256 : i32
    %dma_start3A_23 = tpu.memref_slice %arg7[%dma_start3A_22] : memref<768xi32, #tpu.memory_space<vmem>> -> memref<128xi32, #tpu.memory_space<vmem>>
    %dma_start3A_24 = arith.constant 0 : i32
    %dma_start3A_25 = arith.constant 0 : i32
    %dma_start3A_26 = tpu.memref_slice %arg5[%dma_start3A_24, %dma_start3A_25] : memref<100000x128xf32, #tpu.memory_space<hbm>> -> memref<100000x128xf32, #tpu.memory_space<hbm>>
    tpu.enqueue_indirect_dma source(%dma_start3A_26 : memref<100000x128xf32, #tpu.memory_space<hbm>>) target(%arg8 : memref<128x128xf32, #tpu.memory_space<vmem>>) offsets(%dma_start3A_23 : memref<128xi32, #tpu.memory_space<vmem>>) semaphore(%arg10 : memref<!tpu.dma_semaphore, #tpu.memory_space<semaphore_mem>>)
    %dma_wait3A_27 = arith.constant 128 : i32
    %dma_wait3A_28 = tpu.memref_slice %arg7[%dma_wait3A_27] : memref<768xi32, #tpu.memory_space<vmem>> -> memref<128xi32, #tpu.memory_space<vmem>>
    %dma_wait3A_29 = arith.constant 0 : i32
    %dma_wait3A_30 = arith.constant 0 : i32
    %dma_wait3A_31 = tpu.memref_slice %arg5[%dma_wait3A_29, %dma_wait3A_30] : memref<100000x128xf32, #tpu.memory_space<hbm>> -> memref<100000x128xf32, #tpu.memory_space<hbm>>
    tpu.wait_indirect_dma semaphore(%arg11 : memref<!tpu.dma_semaphore, #tpu.memory_space<semaphore_mem>>) src(%dma_wait3A_31 : memref<100000x128xf32, #tpu.memory_space<hbm>>) dst(%arg9 : memref<128x128xf32, #tpu.memory_space<vmem>>)
    %mul3A_32 = arith.constant 256 : i32
    %mul3A_33 = arith.muli %add3A, %mul3A_32 : i32
    %add3A_34 = arith.constant 128 : i32
    %add3A_35 = arith.addi %mul3A_33, %add3A_34 : i32
    %run_scoped3A_36 = arith.constant 0 : i32
    "tpu.region"() ({
      %run_scoped3A_92 = tpu.sem_alloc : memref<!tpu.dma_semaphore, #tpu.memory_space<semaphore_mem>>
      %dma_start3A_93 = arith.constant 0 : i32
      %dma_start3A_94 = tpu.memref_slice %arg6[%run_scoped3A_36, %add3A_35, %dma_start3A_93] : memref<3x8192x128xf32, #tpu.memory_space<hbm>> -> memref<1x128x128xf32, #tpu.memory_space<hbm>>
      %dma_start3A_95 = tpu.memref_squeeze %dma_start3A_94 : memref<1x128x128xf32, #tpu.memory_space<hbm>> -> memref<128x128xf32, #tpu.memory_space<hbm>>
      %dma_start3A_96 = arith.constant 0 : i32
      %dma_start3A_97 = tpu.memref_slice %arg6[%run_scoped3A_36, %add3A_35, %dma_start3A_96] : memref<3x8192x128xf32, #tpu.memory_space<hbm>> -> memref<1x128x128xf32, #tpu.memory_space<hbm>>
      %dma_start3A_98 = tpu.memref_squeeze %dma_start3A_97 : memref<1x128x128xf32, #tpu.memory_space<hbm>> -> memref<128x128xf32, #tpu.memory_space<hbm>>
      tpu.enqueue_dma source(%arg9 : memref<128x128xf32, #tpu.memory_space<vmem>>) target(%dma_start3A_98 : memref<128x128xf32, #tpu.memory_space<hbm>>) target_semaphore(%run_scoped3A_92 : memref<!tpu.dma_semaphore, #tpu.memory_space<semaphore_mem>>)
      %dma_wait3A_99 = arith.constant 0 : i32
      %dma_wait3A_100 = tpu.memref_slice %arg6[%run_scoped3A_36, %add3A_35, %dma_wait3A_99] : memref<3x8192x128xf32, #tpu.memory_space<hbm>> -> memref<1x128x128xf32, #tpu.memory_space<hbm>>
      %dma_wait3A_101 = tpu.memref_squeeze %dma_wait3A_100 : memref<1x128x128xf32, #tpu.memory_space<hbm>> -> memref<128x128xf32, #tpu.memory_space<hbm>>
      %dma_wait3A_102 = arith.constant 0 : i32
      %dma_wait3A_103 = tpu.memref_slice %arg6[%run_scoped3A_36, %add3A_35, %dma_wait3A_102] : memref<3x8192x128xf32, #tpu.memory_space<hbm>> -> memref<1x128x128xf32, #tpu.memory_space<hbm>>
      %dma_wait3A_104 = tpu.memref_squeeze %dma_wait3A_103 : memref<1x128x128xf32, #tpu.memory_space<hbm>> -> memref<128x128xf32, #tpu.memory_space<hbm>>
      tpu.wait_dma2 semaphore(%run_scoped3A_92 : memref<!tpu.dma_semaphore, #tpu.memory_space<semaphore_mem>>) src(%arg9 : memref<128x128xf32, #tpu.memory_space<vmem>>) dst(%dma_wait3A_104 : memref<128x128xf32, #tpu.memory_space<hbm>>)
      tpu.yield
    }) : () -> ()
    %dma_start3A_37 = arith.constant 384 : i32
    %dma_start3A_38 = tpu.memref_slice %arg7[%dma_start3A_37] : memref<768xi32, #tpu.memory_space<vmem>> -> memref<128xi32, #tpu.memory_space<vmem>>
    %dma_start3A_39 = arith.constant 0 : i32
    %dma_start3A_40 = arith.constant 0 : i32
    %dma_start3A_41 = tpu.memref_slice %arg5[%dma_start3A_39, %dma_start3A_40] : memref<100000x128xf32, #tpu.memory_space<hbm>> -> memref<100000x128xf32, #tpu.memory_space<hbm>>
    tpu.enqueue_indirect_dma source(%dma_start3A_41 : memref<100000x128xf32, #tpu.memory_space<hbm>>) target(%arg9 : memref<128x128xf32, #tpu.memory_space<vmem>>) offsets(%dma_start3A_38 : memref<128xi32, #tpu.memory_space<vmem>>) semaphore(%arg11 : memref<!tpu.dma_semaphore, #tpu.memory_space<semaphore_mem>>)
    %dma_wait3A_42 = arith.constant 256 : i32
    %dma_wait3A_43 = tpu.memref_slice %arg7[%dma_wait3A_42] : memref<768xi32, #tpu.memory_space<vmem>> -> memref<128xi32, #tpu.memory_space<vmem>>
    %dma_wait3A_44 = arith.constant 0 : i32
    %dma_wait3A_45 = arith.constant 0 : i32
    %dma_wait3A_46 = tpu.memref_slice %arg5[%dma_wait3A_44, %dma_wait3A_45] : memref<100000x128xf32, #tpu.memory_space<hbm>> -> memref<100000x128xf32, #tpu.memory_space<hbm>>
    tpu.wait_indirect_dma semaphore(%arg10 : memref<!tpu.dma_semaphore, #tpu.memory_space<semaphore_mem>>) src(%dma_wait3A_46 : memref<100000x128xf32, #tpu.memory_space<hbm>>) dst(%arg8 : memref<128x128xf32, #tpu.memory_space<vmem>>)
    %mul3A_47 = arith.constant 256 : i32
    %mul3A_48 = arith.muli %add3A, %mul3A_47 : i32
    %add3A_49 = arith.constant 0 : i32
    %add3A_50 = arith.addi %mul3A_48, %add3A_49 : i32
    %run_scoped3A_51 = arith.constant 1 : i32
    "tpu.region"() ({
      %run_scoped3A_92 = tpu.sem_alloc : memref<!tpu.dma_semaphore, #tpu.memory_space<semaphore_mem>>
      %dma_start3A_93 = arith.constant 0 : i32
      %dma_start3A_94 = tpu.memref_slice %arg6[%run_scoped3A_51, %add3A_50, %dma_start3A_93] : memref<3x8192x128xf32, #tpu.memory_space<hbm>> -> memref<1x128x128xf32, #tpu.memory_space<hbm>>
      %dma_start3A_95 = tpu.memref_squeeze %dma_start3A_94 : memref<1x128x128xf32, #tpu.memory_space<hbm>> -> memref<128x128xf32, #tpu.memory_space<hbm>>
      %dma_start3A_96 = arith.constant 0 : i32
      %dma_start3A_97 = tpu.memref_slice %arg6[%run_scoped3A_51, %add3A_50, %dma_start3A_96] : memref<3x8192x128xf32, #tpu.memory_space<hbm>> -> memref<1x128x128xf32, #tpu.memory_space<hbm>>
      %dma_start3A_98 = tpu.memref_squeeze %dma_start3A_97 : memref<1x128x128xf32, #tpu.memory_space<hbm>> -> memref<128x128xf32, #tpu.memory_space<hbm>>
      tpu.enqueue_dma source(%arg8 : memref<128x128xf32, #tpu.memory_space<vmem>>) target(%dma_start3A_98 : memref<128x128xf32, #tpu.memory_space<hbm>>) target_semaphore(%run_scoped3A_92 : memref<!tpu.dma_semaphore, #tpu.memory_space<semaphore_mem>>)
      %dma_wait3A_99 = arith.constant 0 : i32
      %dma_wait3A_100 = tpu.memref_slice %arg6[%run_scoped3A_51, %add3A_50, %dma_wait3A_99] : memref<3x8192x128xf32, #tpu.memory_space<hbm>> -> memref<1x128x128xf32, #tpu.memory_space<hbm>>
      %dma_wait3A_101 = tpu.memref_squeeze %dma_wait3A_100 : memref<1x128x128xf32, #tpu.memory_space<hbm>> -> memref<128x128xf32, #tpu.memory_space<hbm>>
      %dma_wait3A_102 = arith.constant 0 : i32
      %dma_wait3A_103 = tpu.memref_slice %arg6[%run_scoped3A_51, %add3A_50, %dma_wait3A_102] : memref<3x8192x128xf32, #tpu.memory_space<hbm>> -> memref<1x128x128xf32, #tpu.memory_space<hbm>>
      %dma_wait3A_104 = tpu.memref_squeeze %dma_wait3A_103 : memref<1x128x128xf32, #tpu.memory_space<hbm>> -> memref<128x128xf32, #tpu.memory_space<hbm>>
      tpu.wait_dma2 semaphore(%run_scoped3A_92 : memref<!tpu.dma_semaphore, #tpu.memory_space<semaphore_mem>>) src(%arg8 : memref<128x128xf32, #tpu.memory_space<vmem>>) dst(%dma_wait3A_104 : memref<128x128xf32, #tpu.memory_space<hbm>>)
      tpu.yield
    }) : () -> ()
    %dma_start3A_52 = arith.constant 512 : i32
    %dma_start3A_53 = tpu.memref_slice %arg7[%dma_start3A_52] : memref<768xi32, #tpu.memory_space<vmem>> -> memref<128xi32, #tpu.memory_space<vmem>>
    %dma_start3A_54 = arith.constant 0 : i32
    %dma_start3A_55 = arith.constant 0 : i32
    %dma_start3A_56 = tpu.memref_slice %arg5[%dma_start3A_54, %dma_start3A_55] : memref<100000x128xf32, #tpu.memory_space<hbm>> -> memref<100000x128xf32, #tpu.memory_space<hbm>>
    tpu.enqueue_indirect_dma source(%dma_start3A_56 : memref<100000x128xf32, #tpu.memory_space<hbm>>) target(%arg8 : memref<128x128xf32, #tpu.memory_space<vmem>>) offsets(%dma_start3A_53 : memref<128xi32, #tpu.memory_space<vmem>>) semaphore(%arg10 : memref<!tpu.dma_semaphore, #tpu.memory_space<semaphore_mem>>)
    %dma_wait3A_57 = arith.constant 384 : i32
    %dma_wait3A_58 = tpu.memref_slice %arg7[%dma_wait3A_57] : memref<768xi32, #tpu.memory_space<vmem>> -> memref<128xi32, #tpu.memory_space<vmem>>
    %dma_wait3A_59 = arith.constant 0 : i32
    %dma_wait3A_60 = arith.constant 0 : i32
    %dma_wait3A_61 = tpu.memref_slice %arg5[%dma_wait3A_59, %dma_wait3A_60] : memref<100000x128xf32, #tpu.memory_space<hbm>> -> memref<100000x128xf32, #tpu.memory_space<hbm>>
    tpu.wait_indirect_dma semaphore(%arg11 : memref<!tpu.dma_semaphore, #tpu.memory_space<semaphore_mem>>) src(%dma_wait3A_61 : memref<100000x128xf32, #tpu.memory_space<hbm>>) dst(%arg9 : memref<128x128xf32, #tpu.memory_space<vmem>>)
    %mul3A_62 = arith.constant 256 : i32
    %mul3A_63 = arith.muli %add3A, %mul3A_62 : i32
    %add3A_64 = arith.constant 128 : i32
    %add3A_65 = arith.addi %mul3A_63, %add3A_64 : i32
    %run_scoped3A_66 = arith.constant 1 : i32
    "tpu.region"() ({
      %run_scoped3A_92 = tpu.sem_alloc : memref<!tpu.dma_semaphore, #tpu.memory_space<semaphore_mem>>
      %dma_start3A_93 = arith.constant 0 : i32
      %dma_start3A_94 = tpu.memref_slice %arg6[%run_scoped3A_66, %add3A_65, %dma_start3A_93] : memref<3x8192x128xf32, #tpu.memory_space<hbm>> -> memref<1x128x128xf32, #tpu.memory_space<hbm>>
      %dma_start3A_95 = tpu.memref_squeeze %dma_start3A_94 : memref<1x128x128xf32, #tpu.memory_space<hbm>> -> memref<128x128xf32, #tpu.memory_space<hbm>>
      %dma_start3A_96 = arith.constant 0 : i32
      %dma_start3A_97 = tpu.memref_slice %arg6[%run_scoped3A_66, %add3A_65, %dma_start3A_96] : memref<3x8192x128xf32, #tpu.memory_space<hbm>> -> memref<1x128x128xf32, #tpu.memory_space<hbm>>
      %dma_start3A_98 = tpu.memref_squeeze %dma_start3A_97 : memref<1x128x128xf32, #tpu.memory_space<hbm>> -> memref<128x128xf32, #tpu.memory_space<hbm>>
      tpu.enqueue_dma source(%arg9 : memref<128x128xf32, #tpu.memory_space<vmem>>) target(%dma_start3A_98 : memref<128x128xf32, #tpu.memory_space<hbm>>) target_semaphore(%run_scoped3A_92 : memref<!tpu.dma_semaphore, #tpu.memory_space<semaphore_mem>>)
      %dma_wait3A_99 = arith.constant 0 : i32
      %dma_wait3A_100 = tpu.memref_slice %arg6[%run_scoped3A_66, %add3A_65, %dma_wait3A_99] : memref<3x8192x128xf32, #tpu.memory_space<hbm>> -> memref<1x128x128xf32, #tpu.memory_space<hbm>>
      %dma_wait3A_101 = tpu.memref_squeeze %dma_wait3A_100 : memref<1x128x128xf32, #tpu.memory_space<hbm>> -> memref<128x128xf32, #tpu.memory_space<hbm>>
      %dma_wait3A_102 = arith.constant 0 : i32
      %dma_wait3A_103 = tpu.memref_slice %arg6[%run_scoped3A_66, %add3A_65, %dma_wait3A_102] : memref<3x8192x128xf32, #tpu.memory_space<hbm>> -> memref<1x128x128xf32, #tpu.memory_space<hbm>>
      %dma_wait3A_104 = tpu.memref_squeeze %dma_wait3A_103 : memref<1x128x128xf32, #tpu.memory_space<hbm>> -> memref<128x128xf32, #tpu.memory_space<hbm>>
      tpu.wait_dma2 semaphore(%run_scoped3A_92 : memref<!tpu.dma_semaphore, #tpu.memory_space<semaphore_mem>>) src(%arg9 : memref<128x128xf32, #tpu.memory_space<vmem>>) dst(%dma_wait3A_104 : memref<128x128xf32, #tpu.memory_space<hbm>>)
      tpu.yield
    }) : () -> ()
    %dma_start3A_67 = arith.constant 640 : i32
    %dma_start3A_68 = tpu.memref_slice %arg7[%dma_start3A_67] : memref<768xi32, #tpu.memory_space<vmem>> -> memref<128xi32, #tpu.memory_space<vmem>>
    %dma_start3A_69 = arith.constant 0 : i32
    %dma_start3A_70 = arith.constant 0 : i32
    %dma_start3A_71 = tpu.memref_slice %arg5[%dma_start3A_69, %dma_start3A_70] : memref<100000x128xf32, #tpu.memory_space<hbm>> -> memref<100000x128xf32, #tpu.memory_space<hbm>>
    tpu.enqueue_indirect_dma source(%dma_start3A_71 : memref<100000x128xf32, #tpu.memory_space<hbm>>) target(%arg9 : memref<128x128xf32, #tpu.memory_space<vmem>>) offsets(%dma_start3A_68 : memref<128xi32, #tpu.memory_space<vmem>>) semaphore(%arg11 : memref<!tpu.dma_semaphore, #tpu.memory_space<semaphore_mem>>)
    %dma_wait3A_72 = arith.constant 512 : i32
    %dma_wait3A_73 = tpu.memref_slice %arg7[%dma_wait3A_72] : memref<768xi32, #tpu.memory_space<vmem>> -> memref<128xi32, #tpu.memory_space<vmem>>
    %dma_wait3A_74 = arith.constant 0 : i32
    %dma_wait3A_75 = arith.constant 0 : i32
    %dma_wait3A_76 = tpu.memref_slice %arg5[%dma_wait3A_74, %dma_wait3A_75] : memref<100000x128xf32, #tpu.memory_space<hbm>> -> memref<100000x128xf32, #tpu.memory_space<hbm>>
    tpu.wait_indirect_dma semaphore(%arg10 : memref<!tpu.dma_semaphore, #tpu.memory_space<semaphore_mem>>) src(%dma_wait3A_76 : memref<100000x128xf32, #tpu.memory_space<hbm>>) dst(%arg8 : memref<128x128xf32, #tpu.memory_space<vmem>>)
    %mul3A_77 = arith.constant 256 : i32
    %mul3A_78 = arith.muli %add3A, %mul3A_77 : i32
    %add3A_79 = arith.constant 0 : i32
    %add3A_80 = arith.addi %mul3A_78, %add3A_79 : i32
    %run_scoped3A_81 = arith.constant 2 : i32
    "tpu.region"() ({
      %run_scoped3A_92 = tpu.sem_alloc : memref<!tpu.dma_semaphore, #tpu.memory_space<semaphore_mem>>
      %dma_start3A_93 = arith.constant 0 : i32
      %dma_start3A_94 = tpu.memref_slice %arg6[%run_scoped3A_81, %add3A_80, %dma_start3A_93] : memref<3x8192x128xf32, #tpu.memory_space<hbm>> -> memref<1x128x128xf32, #tpu.memory_space<hbm>>
      %dma_start3A_95 = tpu.memref_squeeze %dma_start3A_94 : memref<1x128x128xf32, #tpu.memory_space<hbm>> -> memref<128x128xf32, #tpu.memory_space<hbm>>
      %dma_start3A_96 = arith.constant 0 : i32
      %dma_start3A_97 = tpu.memref_slice %arg6[%run_scoped3A_81, %add3A_80, %dma_start3A_96] : memref<3x8192x128xf32, #tpu.memory_space<hbm>> -> memref<1x128x128xf32, #tpu.memory_space<hbm>>
      %dma_start3A_98 = tpu.memref_squeeze %dma_start3A_97 : memref<1x128x128xf32, #tpu.memory_space<hbm>> -> memref<128x128xf32, #tpu.memory_space<hbm>>
      tpu.enqueue_dma source(%arg8 : memref<128x128xf32, #tpu.memory_space<vmem>>) target(%dma_start3A_98 : memref<128x128xf32, #tpu.memory_space<hbm>>) target_semaphore(%run_scoped3A_92 : memref<!tpu.dma_semaphore, #tpu.memory_space<semaphore_mem>>)
      %dma_wait3A_99 = arith.constant 0 : i32
      %dma_wait3A_100 = tpu.memref_slice %arg6[%run_scoped3A_81, %add3A_80, %dma_wait3A_99] : memref<3x8192x128xf32, #tpu.memory_space<hbm>> -> memref<1x128x128xf32, #tpu.memory_space<hbm>>
      %dma_wait3A_101 = tpu.memref_squeeze %dma_wait3A_100 : memref<1x128x128xf32, #tpu.memory_space<hbm>> -> memref<128x128xf32, #tpu.memory_space<hbm>>
      %dma_wait3A_102 = arith.constant 0 : i32
      %dma_wait3A_103 = tpu.memref_slice %arg6[%run_scoped3A_81, %add3A_80, %dma_wait3A_102] : memref<3x8192x128xf32, #tpu.memory_space<hbm>> -> memref<1x128x128xf32, #tpu.memory_space<hbm>>
      %dma_wait3A_104 = tpu.memref_squeeze %dma_wait3A_103 : memref<1x128x128xf32, #tpu.memory_space<hbm>> -> memref<128x128xf32, #tpu.memory_space<hbm>>
      tpu.wait_dma2 semaphore(%run_scoped3A_92 : memref<!tpu.dma_semaphore, #tpu.memory_space<semaphore_mem>>) src(%arg8 : memref<128x128xf32, #tpu.memory_space<vmem>>) dst(%dma_wait3A_104 : memref<128x128xf32, #tpu.memory_space<hbm>>)
      tpu.yield
    }) : () -> ()
    %dma_wait3A_82 = arith.constant 640 : i32
    %dma_wait3A_83 = tpu.memref_slice %arg7[%dma_wait3A_82] : memref<768xi32, #tpu.memory_space<vmem>> -> memref<128xi32, #tpu.memory_space<vmem>>
    %dma_wait3A_84 = arith.constant 0 : i32
    %dma_wait3A_85 = arith.constant 0 : i32
    %dma_wait3A_86 = tpu.memref_slice %arg5[%dma_wait3A_84, %dma_wait3A_85] : memref<100000x128xf32, #tpu.memory_space<hbm>> -> memref<100000x128xf32, #tpu.memory_space<hbm>>
    tpu.wait_indirect_dma semaphore(%arg11 : memref<!tpu.dma_semaphore, #tpu.memory_space<semaphore_mem>>) src(%dma_wait3A_86 : memref<100000x128xf32, #tpu.memory_space<hbm>>) dst(%arg9 : memref<128x128xf32, #tpu.memory_space<vmem>>)
    %mul3A_87 = arith.constant 256 : i32
    %mul3A_88 = arith.muli %add3A, %mul3A_87 : i32
    %add3A_89 = arith.constant 128 : i32
    %add3A_90 = arith.addi %mul3A_88, %add3A_89 : i32
    %run_scoped3A_91 = arith.constant 2 : i32
    "tpu.region"() ({
      %run_scoped3A_92 = tpu.sem_alloc : memref<!tpu.dma_semaphore, #tpu.memory_space<semaphore_mem>>
      %dma_start3A_93 = arith.constant 0 : i32
      %dma_start3A_94 = tpu.memref_slice %arg6[%run_scoped3A_91, %add3A_90, %dma_start3A_93] : memref<3x8192x128xf32, #tpu.memory_space<hbm>> -> memref<1x128x128xf32, #tpu.memory_space<hbm>>
      %dma_start3A_95 = tpu.memref_squeeze %dma_start3A_94 : memref<1x128x128xf32, #tpu.memory_space<hbm>> -> memref<128x128xf32, #tpu.memory_space<hbm>>
      %dma_start3A_96 = arith.constant 0 : i32
      %dma_start3A_97 = tpu.memref_slice %arg6[%run_scoped3A_91, %add3A_90, %dma_start3A_96] : memref<3x8192x128xf32, #tpu.memory_space<hbm>> -> memref<1x128x128xf32, #tpu.memory_space<hbm>>
      %dma_start3A_98 = tpu.memref_squeeze %dma_start3A_97 : memref<1x128x128xf32, #tpu.memory_space<hbm>> -> memref<128x128xf32, #tpu.memory_space<hbm>>
      tpu.enqueue_dma source(%arg9 : memref<128x128xf32, #tpu.memory_space<vmem>>) target(%dma_start3A_98 : memref<128x128xf32, #tpu.memory_space<hbm>>) target_semaphore(%run_scoped3A_92 : memref<!tpu.dma_semaphore, #tpu.memory_space<semaphore_mem>>)
      %dma_wait3A_99 = arith.constant 0 : i32
      %dma_wait3A_100 = tpu.memref_slice %arg6[%run_scoped3A_91, %add3A_90, %dma_wait3A_99] : memref<3x8192x128xf32, #tpu.memory_space<hbm>> -> memref<1x128x128xf32, #tpu.memory_space<hbm>>
      %dma_wait3A_101 = tpu.memref_squeeze %dma_wait3A_100 : memref<1x128x128xf32, #tpu.memory_space<hbm>> -> memref<128x128xf32, #tpu.memory_space<hbm>>
      %dma_wait3A_102 = arith.constant 0 : i32
      %dma_wait3A_103 = tpu.memref_slice %arg6[%run_scoped3A_91, %add3A_90, %dma_wait3A_102] : memref<3x8192x128xf32, #tpu.memory_space<hbm>> -> memref<1x128x128xf32, #tpu.memory_space<hbm>>
      %dma_wait3A_104 = tpu.memref_squeeze %dma_wait3A_103 : memref<1x128x128xf32, #tpu.memory_space<hbm>> -> memref<128x128xf32, #tpu.memory_space<hbm>>
      tpu.wait_dma2 semaphore(%run_scoped3A_92 : memref<!tpu.dma_semaphore, #tpu.memory_space<semaphore_mem>>) src(%arg9 : memref<128x128xf32, #tpu.memory_space<vmem>>) dst(%dma_wait3A_104 : memref<128x128xf32, #tpu.memory_space<hbm>>)
      tpu.yield
    }) : () -> ()
    return
  }
}

module attributes {stable_mosaic.version = 14 : i64} {
  func.func @_tc_body(%arg0: i32, %arg1: memref<3x1024x128xf32, #tpu.memory_space<vmem>>, %arg2: memref<1024x1xi32, #tpu.memory_space<vmem>>, %arg3: memref<1024x1xbf16, #tpu.memory_space<vmem>>, %arg4: memref<16x1024xbf16, #tpu.memory_space<vmem>>, %arg5: memref<128x1024xbf16, #tpu.memory_space<vmem>>, %arg6: memref<16x64xf32, #tpu.memory_space<vmem>>, %arg7: memref<1x1xf32, #tpu.memory_space<vmem>>) attributes {dimension_semantics = [#tpu.dimension_semantics<arbitrary>], iteration_bounds = array<i64: 8>, scalar_prefetch = 0 : i64, scratch_operands = 0 : i64, tpu.core_type = #tpu.core_type<tc>, window_params = [{transform_indices = @transform_0, window_bounds = array<i64: 3, 1024, 128>}, {transform_indices = @transform_1, window_bounds = array<i64: 1024, 1>}, {transform_indices = @transform_2, window_bounds = array<i64: 1024, 1>}, {pipeline_mode = #tpu.pipeline_mode<synchronous>, transform_indices = @transform_3, window_bounds = array<i64: 16, 1024>}, {pipeline_mode = #tpu.pipeline_mode<synchronous>, transform_indices = @transform_4, window_bounds = array<i64: 128, 1024>}, {pipeline_mode = #tpu.pipeline_mode<synchronous>, transform_indices = @transform_5, window_bounds = array<i64: 16, 64>}, {pipeline_mode = #tpu.pipeline_mode<synchronous>, transform_indices = @transform_6, window_bounds = array<i64: 1, 1>}]} {
    %get3A = arith.constant 0 : index
    %get3A_0 = arith.constant 0 : index
    %get3A_1 = vector.load %arg2[%get3A, %get3A_0] : memref<1024x1xi32, #tpu.memory_space<vmem>>, vector<1024x1xi32>
    %get3A_2 = arith.constant 0 : index
    %get3A_3 = arith.constant 0 : index
    %get3A_4 = vector.load %arg3[%get3A_2, %get3A_3] : memref<1024x1xbf16, #tpu.memory_space<vmem>>, vector<1024x1xbf16>
    %get3A_5 = arith.constant 0 : index
    %get3A_6 = arith.constant 0 : index
    %get3A_7 = vector.load %arg4[%get3A_5, %get3A_6] : memref<16x1024xbf16, #tpu.memory_space<vmem>>, vector<1x1024xbf16>
    %get3A_8 = arith.constant 0 : index
    %get3A_9 = arith.constant 0 : index
    %get3A_10 = vector.load %arg5[%get3A_8, %get3A_9] : memref<128x1024xbf16, #tpu.memory_space<vmem>>, vector<128x1024xbf16>
    %eq3A = vector.broadcast %get3A_7 : vector<1x1024xbf16> to vector<1024x1024xbf16>
    %eq3A_11 = vector.broadcast %get3A_4 : vector<1024x1xbf16> to vector<1024x1024xbf16>
    %eq3A_12 = arith.cmpf oeq, %eq3A, %eq3A_11 : vector<1024x1024xbf16>
    %get3A_13 = arith.constant 0 : index
    %get3A_14 = arith.constant 0 : index
    %get3A_15 = arith.constant 0 : index
    %get3A_16 = vector.load %arg1[%get3A_13, %get3A_14, %get3A_15] : memref<3x1024x128xf32, #tpu.memory_space<vmem>>, vector<1x1024x128xf32>
    %get3A_17 = vector.shape_cast %get3A_16 : vector<1x1024x128xf32> to vector<1024x128xf32>
    %convert_element_type3A = arith.truncf %get3A_17 : vector<1024x128xf32> to vector<1024x128xbf16>
    %dot_general3A = arith.constant dense<0.000000e+00> : vector<1024x1024xf32>
    %dot_general3A_18 = tpu.matmul %convert_element_type3A, %get3A_10, %dot_general3A {dimension_numbers = #tpu.dot_dimension_numbers<[1], [0], [0], [1], [0, 0, 1, 1], [], []>, transpose_lhs_hint = false} : vector<1024x128xbf16>, vector<128x1024xbf16>, vector<1024x1024xf32> -> vector<1024x1024xf32>
    %convert_element_type3A_19 = arith.truncf %dot_general3A_18 : vector<1024x1024xf32> to vector<1024x1024xbf16>
    %jit3A = arith.constant 0.000000e+00 : bf16
    %broadcast_in_dim3A = vector.broadcast %jit3A : bf16 to vector<1024x1024xbf16>
    %select_n3A = arith.select %eq3A_12, %convert_element_type3A_19, %broadcast_in_dim3A : vector<1024x1024xi1>, vector<1024x1024xbf16>
    %slice3A = vector.extract_strided_slice %select_n3A {offsets = [0, 0], sizes = [1024, 128], strides = [1, 1]} : vector<1024x1024xbf16> to vector<1024x128xbf16>
    %slice3A_20 = vector.extract_strided_slice %select_n3A {offsets = [0, 128], sizes = [1024, 128], strides = [1, 1]} : vector<1024x1024xbf16> to vector<1024x128xbf16>
    %add3A = arith.addf %slice3A, %slice3A_20 : vector<1024x128xbf16>
    %slice3A_21 = vector.extract_strided_slice %select_n3A {offsets = [0, 256], sizes = [1024, 128], strides = [1, 1]} : vector<1024x1024xbf16> to vector<1024x128xbf16>
    %add3A_22 = arith.addf %add3A, %slice3A_21 : vector<1024x128xbf16>
    %slice3A_23 = vector.extract_strided_slice %select_n3A {offsets = [0, 384], sizes = [1024, 128], strides = [1, 1]} : vector<1024x1024xbf16> to vector<1024x128xbf16>
    %add3A_24 = arith.addf %add3A_22, %slice3A_23 : vector<1024x128xbf16>
    %slice3A_25 = vector.extract_strided_slice %select_n3A {offsets = [0, 512], sizes = [1024, 128], strides = [1, 1]} : vector<1024x1024xbf16> to vector<1024x128xbf16>
    %add3A_26 = arith.addf %add3A_24, %slice3A_25 : vector<1024x128xbf16>
    %slice3A_27 = vector.extract_strided_slice %select_n3A {offsets = [0, 640], sizes = [1024, 128], strides = [1, 1]} : vector<1024x1024xbf16> to vector<1024x128xbf16>
    %add3A_28 = arith.addf %add3A_26, %slice3A_27 : vector<1024x128xbf16>
    %slice3A_29 = vector.extract_strided_slice %select_n3A {offsets = [0, 768], sizes = [1024, 128], strides = [1, 1]} : vector<1024x1024xbf16> to vector<1024x128xbf16>
    %add3A_30 = arith.addf %add3A_28, %slice3A_29 : vector<1024x128xbf16>
    %slice3A_31 = vector.extract_strided_slice %select_n3A {offsets = [0, 896], sizes = [1024, 128], strides = [1, 1]} : vector<1024x1024xbf16> to vector<1024x128xbf16>
    %add3A_32 = arith.addf %add3A_30, %slice3A_31 : vector<1024x128xbf16>
    %slice3A_33 = vector.extract_strided_slice %add3A_32 {offsets = [0, 0], sizes = [1024, 64], strides = [1, 1]} : vector<1024x128xbf16> to vector<1024x64xbf16>
    %slice3A_34 = vector.extract_strided_slice %add3A_32 {offsets = [0, 64], sizes = [1024, 64], strides = [1, 1]} : vector<1024x128xbf16> to vector<1024x64xbf16>
    %add3A_35 = arith.addf %slice3A_33, %slice3A_34 : vector<1024x64xbf16>
    %convert_element_type3A_36 = arith.extf %add3A_35 : vector<1024x64xbf16> to vector<1024x64xf32>
    %mul3A = arith.mulf %convert_element_type3A_36, %convert_element_type3A_36 : vector<1024x64xf32>
    %reduce_sum3A = arith.constant dense<0.000000e+00> : vector<1024xf32>
    %reduce_sum3A_37 = vector.multi_reduction <add>, %mul3A, %reduce_sum3A [1] : vector<1024x64xf32> to vector<1024xf32>
    %broadcast_in_dim3A_38 = vector.shape_cast %reduce_sum3A_37 : vector<1024xf32> to vector<1024x1xf32>
    %sqrt3A = math.sqrt %broadcast_in_dim3A_38 : vector<1024x1xf32>
    %max3A = arith.constant 9.99999996E-13 : f32
    %max3A_39 = vector.broadcast %max3A : f32 to vector<1024x1xf32>
    %max3A_40 = arith.maximumf %sqrt3A, %max3A_39 : vector<1024x1xf32>
    %div3A = vector.broadcast %max3A_40 : vector<1024x1xf32> to vector<1024x64xf32>
    %div3A_41 = arith.divf %convert_element_type3A_36, %div3A : vector<1024x64xf32>
    %get3A_42 = arith.constant 1 : index
    %get3A_43 = arith.constant 0 : index
    %get3A_44 = arith.constant 0 : index
    %get3A_45 = vector.load %arg1[%get3A_42, %get3A_43, %get3A_44] : memref<3x1024x128xf32, #tpu.memory_space<vmem>>, vector<1x1024x128xf32>
    %get3A_46 = vector.shape_cast %get3A_45 : vector<1x1024x128xf32> to vector<1024x128xf32>
    %convert_element_type3A_47 = arith.truncf %get3A_46 : vector<1024x128xf32> to vector<1024x128xbf16>
    %dot_general3A_48 = arith.constant dense<0.000000e+00> : vector<1024x1024xf32>
    %dot_general3A_49 = tpu.matmul %convert_element_type3A_47, %get3A_10, %dot_general3A_48 {dimension_numbers = #tpu.dot_dimension_numbers<[1], [0], [0], [1], [0, 0, 1, 1], [], []>, transpose_lhs_hint = false} : vector<1024x128xbf16>, vector<128x1024xbf16>, vector<1024x1024xf32> -> vector<1024x1024xf32>
    %convert_element_type3A_50 = arith.truncf %dot_general3A_49 : vector<1024x1024xf32> to vector<1024x1024xbf16>
    %jit3A_51 = arith.constant 0.000000e+00 : bf16
    %broadcast_in_dim3A_52 = vector.broadcast %jit3A_51 : bf16 to vector<1024x1024xbf16>
    %select_n3A_53 = arith.select %eq3A_12, %convert_element_type3A_50, %broadcast_in_dim3A_52 : vector<1024x1024xi1>, vector<1024x1024xbf16>
    %slice3A_54 = vector.extract_strided_slice %select_n3A_53 {offsets = [0, 0], sizes = [1024, 128], strides = [1, 1]} : vector<1024x1024xbf16> to vector<1024x128xbf16>
    %slice3A_55 = vector.extract_strided_slice %select_n3A_53 {offsets = [0, 128], sizes = [1024, 128], strides = [1, 1]} : vector<1024x1024xbf16> to vector<1024x128xbf16>
    %add3A_56 = arith.addf %slice3A_54, %slice3A_55 : vector<1024x128xbf16>
    %slice3A_57 = vector.extract_strided_slice %select_n3A_53 {offsets = [0, 256], sizes = [1024, 128], strides = [1, 1]} : vector<1024x1024xbf16> to vector<1024x128xbf16>
    %add3A_58 = arith.addf %add3A_56, %slice3A_57 : vector<1024x128xbf16>
    %slice3A_59 = vector.extract_strided_slice %select_n3A_53 {offsets = [0, 384], sizes = [1024, 128], strides = [1, 1]} : vector<1024x1024xbf16> to vector<1024x128xbf16>
    %add3A_60 = arith.addf %add3A_58, %slice3A_59 : vector<1024x128xbf16>
    %slice3A_61 = vector.extract_strided_slice %select_n3A_53 {offsets = [0, 512], sizes = [1024, 128], strides = [1, 1]} : vector<1024x1024xbf16> to vector<1024x128xbf16>
    %add3A_62 = arith.addf %add3A_60, %slice3A_61 : vector<1024x128xbf16>
    %slice3A_63 = vector.extract_strided_slice %select_n3A_53 {offsets = [0, 640], sizes = [1024, 128], strides = [1, 1]} : vector<1024x1024xbf16> to vector<1024x128xbf16>
    %add3A_64 = arith.addf %add3A_62, %slice3A_63 : vector<1024x128xbf16>
    %slice3A_65 = vector.extract_strided_slice %select_n3A_53 {offsets = [0, 768], sizes = [1024, 128], strides = [1, 1]} : vector<1024x1024xbf16> to vector<1024x128xbf16>
    %add3A_66 = arith.addf %add3A_64, %slice3A_65 : vector<1024x128xbf16>
    %slice3A_67 = vector.extract_strided_slice %select_n3A_53 {offsets = [0, 896], sizes = [1024, 128], strides = [1, 1]} : vector<1024x1024xbf16> to vector<1024x128xbf16>
    %add3A_68 = arith.addf %add3A_66, %slice3A_67 : vector<1024x128xbf16>
    %slice3A_69 = vector.extract_strided_slice %add3A_68 {offsets = [0, 0], sizes = [1024, 64], strides = [1, 1]} : vector<1024x128xbf16> to vector<1024x64xbf16>
    %slice3A_70 = vector.extract_strided_slice %add3A_68 {offsets = [0, 64], sizes = [1024, 64], strides = [1, 1]} : vector<1024x128xbf16> to vector<1024x64xbf16>
    %add3A_71 = arith.addf %slice3A_69, %slice3A_70 : vector<1024x64xbf16>
    %convert_element_type3A_72 = arith.extf %add3A_71 : vector<1024x64xbf16> to vector<1024x64xf32>
    %mul3A_73 = arith.mulf %convert_element_type3A_72, %convert_element_type3A_72 : vector<1024x64xf32>
    %reduce_sum3A_74 = arith.constant dense<0.000000e+00> : vector<1024xf32>
    %reduce_sum3A_75 = vector.multi_reduction <add>, %mul3A_73, %reduce_sum3A_74 [1] : vector<1024x64xf32> to vector<1024xf32>
    %broadcast_in_dim3A_76 = vector.shape_cast %reduce_sum3A_75 : vector<1024xf32> to vector<1024x1xf32>
    %sqrt3A_77 = math.sqrt %broadcast_in_dim3A_76 : vector<1024x1xf32>
    %max3A_78 = arith.constant 9.99999996E-13 : f32
    %max3A_79 = vector.broadcast %max3A_78 : f32 to vector<1024x1xf32>
    %max3A_80 = arith.maximumf %sqrt3A_77, %max3A_79 : vector<1024x1xf32>
    %div3A_81 = vector.broadcast %max3A_80 : vector<1024x1xf32> to vector<1024x64xf32>
    %div3A_82 = arith.divf %convert_element_type3A_72, %div3A_81 : vector<1024x64xf32>
    %get3A_83 = arith.constant 2 : index
    %get3A_84 = arith.constant 0 : index
    %get3A_85 = arith.constant 0 : index
    %get3A_86 = vector.load %arg1[%get3A_83, %get3A_84, %get3A_85] : memref<3x1024x128xf32, #tpu.memory_space<vmem>>, vector<1x1024x128xf32>
    %get3A_87 = vector.shape_cast %get3A_86 : vector<1x1024x128xf32> to vector<1024x128xf32>
    %convert_element_type3A_88 = arith.truncf %get3A_87 : vector<1024x128xf32> to vector<1024x128xbf16>
    %dot_general3A_89 = arith.constant dense<0.000000e+00> : vector<1024x1024xf32>
    %dot_general3A_90 = tpu.matmul %convert_element_type3A_88, %get3A_10, %dot_general3A_89 {dimension_numbers = #tpu.dot_dimension_numbers<[1], [0], [0], [1], [0, 0, 1, 1], [], []>, transpose_lhs_hint = false} : vector<1024x128xbf16>, vector<128x1024xbf16>, vector<1024x1024xf32> -> vector<1024x1024xf32>
    %convert_element_type3A_91 = arith.truncf %dot_general3A_90 : vector<1024x1024xf32> to vector<1024x1024xbf16>
    %jit3A_92 = arith.constant 0.000000e+00 : bf16
    %broadcast_in_dim3A_93 = vector.broadcast %jit3A_92 : bf16 to vector<1024x1024xbf16>
    %select_n3A_94 = arith.select %eq3A_12, %convert_element_type3A_91, %broadcast_in_dim3A_93 : vector<1024x1024xi1>, vector<1024x1024xbf16>
    %slice3A_95 = vector.extract_strided_slice %select_n3A_94 {offsets = [0, 0], sizes = [1024, 128], strides = [1, 1]} : vector<1024x1024xbf16> to vector<1024x128xbf16>
    %slice3A_96 = vector.extract_strided_slice %select_n3A_94 {offsets = [0, 128], sizes = [1024, 128], strides = [1, 1]} : vector<1024x1024xbf16> to vector<1024x128xbf16>
    %add3A_97 = arith.addf %slice3A_95, %slice3A_96 : vector<1024x128xbf16>
    %slice3A_98 = vector.extract_strided_slice %select_n3A_94 {offsets = [0, 256], sizes = [1024, 128], strides = [1, 1]} : vector<1024x1024xbf16> to vector<1024x128xbf16>
    %add3A_99 = arith.addf %add3A_97, %slice3A_98 : vector<1024x128xbf16>
    %slice3A_100 = vector.extract_strided_slice %select_n3A_94 {offsets = [0, 384], sizes = [1024, 128], strides = [1, 1]} : vector<1024x1024xbf16> to vector<1024x128xbf16>
    %add3A_101 = arith.addf %add3A_99, %slice3A_100 : vector<1024x128xbf16>
    %slice3A_102 = vector.extract_strided_slice %select_n3A_94 {offsets = [0, 512], sizes = [1024, 128], strides = [1, 1]} : vector<1024x1024xbf16> to vector<1024x128xbf16>
    %add3A_103 = arith.addf %add3A_101, %slice3A_102 : vector<1024x128xbf16>
    %slice3A_104 = vector.extract_strided_slice %select_n3A_94 {offsets = [0, 640], sizes = [1024, 128], strides = [1, 1]} : vector<1024x1024xbf16> to vector<1024x128xbf16>
    %add3A_105 = arith.addf %add3A_103, %slice3A_104 : vector<1024x128xbf16>
    %slice3A_106 = vector.extract_strided_slice %select_n3A_94 {offsets = [0, 768], sizes = [1024, 128], strides = [1, 1]} : vector<1024x1024xbf16> to vector<1024x128xbf16>
    %add3A_107 = arith.addf %add3A_105, %slice3A_106 : vector<1024x128xbf16>
    %slice3A_108 = vector.extract_strided_slice %select_n3A_94 {offsets = [0, 896], sizes = [1024, 128], strides = [1, 1]} : vector<1024x1024xbf16> to vector<1024x128xbf16>
    %add3A_109 = arith.addf %add3A_107, %slice3A_108 : vector<1024x128xbf16>
    %slice3A_110 = vector.extract_strided_slice %add3A_109 {offsets = [0, 0], sizes = [1024, 64], strides = [1, 1]} : vector<1024x128xbf16> to vector<1024x64xbf16>
    %slice3A_111 = vector.extract_strided_slice %add3A_109 {offsets = [0, 64], sizes = [1024, 64], strides = [1, 1]} : vector<1024x128xbf16> to vector<1024x64xbf16>
    %add3A_112 = arith.addf %slice3A_110, %slice3A_111 : vector<1024x64xbf16>
    %convert_element_type3A_113 = arith.extf %add3A_112 : vector<1024x64xbf16> to vector<1024x64xf32>
    %mul3A_114 = arith.mulf %convert_element_type3A_113, %convert_element_type3A_113 : vector<1024x64xf32>
    %reduce_sum3A_115 = arith.constant dense<0.000000e+00> : vector<1024xf32>
    %reduce_sum3A_116 = vector.multi_reduction <add>, %mul3A_114, %reduce_sum3A_115 [1] : vector<1024x64xf32> to vector<1024xf32>
    %broadcast_in_dim3A_117 = vector.shape_cast %reduce_sum3A_116 : vector<1024xf32> to vector<1024x1xf32>
    %sqrt3A_118 = math.sqrt %broadcast_in_dim3A_117 : vector<1024x1xf32>
    %max3A_119 = arith.constant 9.99999996E-13 : f32
    %max3A_120 = vector.broadcast %max3A_119 : f32 to vector<1024x1xf32>
    %max3A_121 = arith.maximumf %sqrt3A_118, %max3A_120 : vector<1024x1xf32>
    %div3A_122 = vector.broadcast %max3A_121 : vector<1024x1xf32> to vector<1024x64xf32>
    %div3A_123 = arith.divf %convert_element_type3A_113, %div3A_122 : vector<1024x64xf32>
    %iota3A = tpu.iota {dimensions = array<i32: 1>} : vector<1024x16xi32>
    %eq3A_124 = vector.broadcast %get3A_1 : vector<1024x1xi32> to vector<1024x16xi32>
    %eq3A_125 = arith.cmpi eq, %eq3A_124, %iota3A : vector<1024x16xi32>
    %convert_element_type3A_126 = arith.extui %eq3A_125 : vector<1024x16xi1> to vector<1024x16xi32>
    %convert_element_type3A_127 = arith.sitofp %convert_element_type3A_126 : vector<1024x16xi32> to vector<1024x16xf32>
    %get3A_128 = arith.constant 0 : index
    %get3A_129 = arith.constant 0 : index
    %get3A_130 = vector.load %arg6[%get3A_128, %get3A_129] : memref<16x64xf32, #tpu.memory_space<vmem>>, vector<16x64xf32>
    %mul3A_131 = arith.mulf %get3A_130, %get3A_130 : vector<16x64xf32>
    %reduce_sum3A_132 = arith.constant dense<0.000000e+00> : vector<16xf32>
    %reduce_sum3A_133 = vector.multi_reduction <add>, %mul3A_131, %reduce_sum3A_132 [1] : vector<16x64xf32> to vector<16xf32>
    %broadcast_in_dim3A_134 = vector.shape_cast %reduce_sum3A_133 : vector<16xf32> to vector<16x1xf32>
    %sqrt3A_135 = math.sqrt %broadcast_in_dim3A_134 : vector<16x1xf32>
    %max3A_136 = arith.constant 9.99999996E-13 : f32
    %max3A_137 = vector.broadcast %max3A_136 : f32 to vector<16x1xf32>
    %max3A_138 = arith.maximumf %sqrt3A_135, %max3A_137 : vector<16x1xf32>
    %div3A_139 = vector.broadcast %max3A_138 : vector<16x1xf32> to vector<16x64xf32>
    %div3A_140 = arith.divf %get3A_130, %div3A_139 : vector<16x64xf32>
    %dot_general3A_141 = arith.constant dense<0.000000e+00> : vector<1024x64xf32>
    %dot_general3A_142 = tpu.matmul %convert_element_type3A_127, %div3A_140, %dot_general3A_141 {dimension_numbers = #tpu.dot_dimension_numbers<[1], [0], [0], [1], [0, 0, 1, 1], [], []>, transpose_lhs_hint = false} : vector<1024x16xf32>, vector<16x64xf32>, vector<1024x64xf32> -> vector<1024x64xf32>
    %add3A_143 = arith.addf %div3A_41, %dot_general3A_142 : vector<1024x64xf32>
    %sub3A = arith.subf %add3A_143, %div3A_82 : vector<1024x64xf32>
    %add3A_144 = arith.addf %div3A_41, %dot_general3A_142 : vector<1024x64xf32>
    %sub3A_145 = arith.subf %add3A_144, %div3A_123 : vector<1024x64xf32>
    %mul3A_146 = arith.mulf %sub3A, %sub3A : vector<1024x64xf32>
    %reduce_sum3A_147 = arith.constant dense<0.000000e+00> : vector<1024xf32>
    %reduce_sum3A_148 = vector.multi_reduction <add>, %mul3A_146, %reduce_sum3A_147 [1] : vector<1024x64xf32> to vector<1024xf32>
    %broadcast_in_dim3A_149 = vector.shape_cast %reduce_sum3A_148 : vector<1024xf32> to vector<1024x1xf32>
    %mul3A_150 = arith.mulf %sub3A_145, %sub3A_145 : vector<1024x64xf32>
    %reduce_sum3A_151 = arith.constant dense<0.000000e+00> : vector<1024xf32>
    %reduce_sum3A_152 = vector.multi_reduction <add>, %mul3A_150, %reduce_sum3A_151 [1] : vector<1024x64xf32> to vector<1024xf32>
    %broadcast_in_dim3A_153 = vector.shape_cast %reduce_sum3A_152 : vector<1024xf32> to vector<1024x1xf32>
    %sub3A_154 = arith.subf %broadcast_in_dim3A_153, %broadcast_in_dim3A_149 : vector<1024x1xf32>
    %neg3A = arith.constant 0.000000e+00 : f32
    %neg3A_155 = vector.broadcast %neg3A : f32 to vector<1024x1xf32>
    %neg3A_156 = arith.subf %neg3A_155, %sub3A_154 : vector<1024x1xf32>
    %max3A_157 = arith.constant 0.000000e+00 : f32
    %max3A_158 = vector.broadcast %max3A_157 : f32 to vector<1024x1xf32>
    %max3A_159 = arith.maximumf %neg3A_156, %max3A_158 : vector<1024x1xf32>
    %abs3A = math.absf %sub3A_154 : vector<1024x1xf32>
    %neg3A_160 = arith.constant 0.000000e+00 : f32
    %neg3A_161 = vector.broadcast %neg3A_160 : f32 to vector<1024x1xf32>
    %neg3A_162 = arith.subf %neg3A_161, %abs3A : vector<1024x1xf32>
    %exp3A = math.exp %neg3A_162 : vector<1024x1xf32>
    %add3A_163 = arith.constant 1.000000e+00 : f32
    %add3A_164 = vector.broadcast %add3A_163 : f32 to vector<1024x1xf32>
    %add3A_165 = arith.addf %add3A_164, %exp3A : vector<1024x1xf32>
    %log3A = math.log %add3A_165 : vector<1024x1xf32>
    %add3A_166 = arith.addf %max3A_159, %log3A : vector<1024x1xf32>
    %mul3A_167 = arith.mulf %div3A_41, %div3A_41 : vector<1024x64xf32>
    %reduce_sum3A_168 = vector.shape_cast %mul3A_167 : vector<1024x64xf32> to vector<1x1024x64xf32>
    %reduce_sum3A_169 = arith.constant dense<0.000000e+00> : vector<1xf32>
    %reduce_sum3A_170 = vector.multi_reduction <add>, %reduce_sum3A_168, %reduce_sum3A_169 [1, 2] : vector<1x1024x64xf32> to vector<1xf32>
    %reduce_sum3A_171 = vector.shape_cast %reduce_sum3A_170 : vector<1xf32> to vector<1x1x1xf32>
    %reduce_sum3A_172 = vector.extract %reduce_sum3A_171[0, 0, 0] : f32 from vector<1x1x1xf32>
    %mul3A_173 = arith.mulf %dot_general3A_142, %dot_general3A_142 : vector<1024x64xf32>
    %reduce_sum3A_174 = vector.shape_cast %mul3A_173 : vector<1024x64xf32> to vector<1x1024x64xf32>
    %reduce_sum3A_175 = arith.constant dense<0.000000e+00> : vector<1xf32>
    %reduce_sum3A_176 = vector.multi_reduction <add>, %reduce_sum3A_174, %reduce_sum3A_175 [1, 2] : vector<1x1024x64xf32> to vector<1xf32>
    %reduce_sum3A_177 = vector.shape_cast %reduce_sum3A_176 : vector<1xf32> to vector<1x1x1xf32>
    %reduce_sum3A_178 = vector.extract %reduce_sum3A_177[0, 0, 0] : f32 from vector<1x1x1xf32>
    %add3A_179 = arith.addf %reduce_sum3A_172, %reduce_sum3A_178 : f32
    %mul3A_180 = arith.mulf %div3A_82, %div3A_82 : vector<1024x64xf32>
    %reduce_sum3A_181 = vector.shape_cast %mul3A_180 : vector<1024x64xf32> to vector<1x1024x64xf32>
    %reduce_sum3A_182 = arith.constant dense<0.000000e+00> : vector<1xf32>
    %reduce_sum3A_183 = vector.multi_reduction <add>, %reduce_sum3A_181, %reduce_sum3A_182 [1, 2] : vector<1x1024x64xf32> to vector<1xf32>
    %reduce_sum3A_184 = vector.shape_cast %reduce_sum3A_183 : vector<1xf32> to vector<1x1x1xf32>
    %reduce_sum3A_185 = vector.extract %reduce_sum3A_184[0, 0, 0] : f32 from vector<1x1x1xf32>
    %add3A_186 = arith.addf %add3A_179, %reduce_sum3A_185 : f32
    %mul3A_187 = arith.mulf %div3A_123, %div3A_123 : vector<1024x64xf32>
    %reduce_sum3A_188 = vector.shape_cast %mul3A_187 : vector<1024x64xf32> to vector<1x1024x64xf32>
    %reduce_sum3A_189 = arith.constant dense<0.000000e+00> : vector<1xf32>
    %reduce_sum3A_190 = vector.multi_reduction <add>, %reduce_sum3A_188, %reduce_sum3A_189 [1, 2] : vector<1x1024x64xf32> to vector<1xf32>
    %reduce_sum3A_191 = vector.shape_cast %reduce_sum3A_190 : vector<1xf32> to vector<1x1x1xf32>
    %reduce_sum3A_192 = vector.extract %reduce_sum3A_191[0, 0, 0] : f32 from vector<1x1x1xf32>
    %add3A_193 = arith.addf %add3A_186, %reduce_sum3A_192 : f32
    %mul3A_194 = arith.constant 5.000000e-01 : f32
    %mul3A_195 = arith.mulf %mul3A_194, %add3A_193 : f32
    %reduce_sum3A_196 = vector.shape_cast %add3A_166 : vector<1024x1xf32> to vector<1x1024x1xf32>
    %reduce_sum3A_197 = arith.constant dense<0.000000e+00> : vector<1xf32>
    %reduce_sum3A_198 = vector.multi_reduction <add>, %reduce_sum3A_196, %reduce_sum3A_197 [1, 2] : vector<1x1024x1xf32> to vector<1xf32>
    %reduce_sum3A_199 = vector.shape_cast %reduce_sum3A_198 : vector<1xf32> to vector<1x1x1xf32>
    %reduce_sum3A_200 = vector.extract %reduce_sum3A_199[0, 0, 0] : f32 from vector<1x1x1xf32>
    %mul3A_201 = arith.constant 0.00999999977 : f32
    %mul3A_202 = arith.mulf %mul3A_201, %mul3A_195 : f32
    %add3A_203 = arith.addf %reduce_sum3A_200, %mul3A_202 : f32
    %mul3A_204 = arith.constant 6.10351563E-5 : f32
    %mul3A_205 = arith.mulf %add3A_203, %mul3A_204 : f32
    %reshape3A = vector.broadcast %mul3A_205 : f32 to vector<1x1xf32>
    %eq3A_206 = arith.constant 0 : i32
    %eq3A_207 = arith.cmpi eq, %arg0, %eq3A_206 : i32
    %get3A_208 = arith.constant 0 : index
    %get3A_209 = arith.constant 0 : index
    %get3A_210 = vector.load %arg7[%get3A_208, %get3A_209] : memref<1x1xf32, #tpu.memory_space<vmem>>, vector<1x1xf32>
    %add3A_211 = arith.addf %get3A_210, %reshape3A : vector<1x1xf32>
    %select_n3A_212 = arith.select %eq3A_207, %reshape3A, %add3A_211 : vector<1x1xf32>
    %swap3A = arith.constant 0 : index
    %swap3A_213 = arith.constant 0 : index
    %swap3A_214 = vector.load %arg7[%swap3A, %swap3A_213] : memref<1x1xf32, #tpu.memory_space<vmem>>, vector<1x1xf32>
    tpu.vector_store %arg7[%swap3A, %swap3A_213], %select_n3A_212 {strides = array<i32>} : memref<1x1xf32, #tpu.memory_space<vmem>>, vector<1x1xf32>,
    return
  }
  func.func @transform_0(%arg0: i32) -> (i32, i32, i32) {
    %c0_i32 = arith.constant 0 : i32
    %c0_i32_0 = arith.constant 0 : i32
    %c0_i32_1 = arith.constant 0 : i32
    return %c0_i32, %arg0, %c0_i32_0 : i32, i32, i32
  }
  func.func @transform_1(%arg0: i32) -> (i32, i32) {
    %add3A = arith.constant 8 : i32
    %add3A_0 = arith.addi %add3A, %arg0 : i32
    %c0_i32 = arith.constant 0 : i32
    %c0_i32_1 = arith.constant 0 : i32
    return %add3A_0, %c0_i32 : i32, i32
  }
  func.func @transform_2(%arg0: i32) -> (i32, i32) {
    %add3A = arith.constant 8 : i32
    %add3A_0 = arith.addi %add3A, %arg0 : i32
    %c0_i32 = arith.constant 0 : i32
    %c0_i32_1 = arith.constant 0 : i32
    return %add3A_0, %c0_i32 : i32, i32
  }
  func.func @transform_3(%arg0: i32) -> (i32, i32) {
    %c0_i32 = arith.constant 0 : i32
    %c0_i32_0 = arith.constant 0 : i32
    %c0_i32_1 = arith.constant 0 : i32
    return %c0_i32, %c0_i32_0 : i32, i32
  }
  func.func @transform_4(%arg0: i32) -> (i32, i32) {
    %c0_i32 = arith.constant 0 : i32
    %c0_i32_0 = arith.constant 0 : i32
    %c0_i32_1 = arith.constant 0 : i32
    return %c0_i32, %c0_i32_0 : i32, i32
  }
  func.func @transform_5(%arg0: i32) -> (i32, i32) {
    %c0_i32 = arith.constant 0 : i32
    %c0_i32_0 = arith.constant 0 : i32
    %c0_i32_1 = arith.constant 0 : i32
    return %c0_i32, %c0_i32_0 : i32, i32
  }
  func.func @transform_6(%arg0: i32) -> (i32, i32) {
    %c0_i32 = arith.constant 0 : i32
    %c0_i32_0 = arith.constant 0 : i32
    %c0_i32_1 = arith.constant 0 : i32
    return %c0_i32, %c0_i32_0 : i32, i32
  }
}

module attributes {stable_mosaic.version = 14 : i64} {
  func.func @_tc_body(%arg0: i32, %arg1: memref<3x1024x128xf32, #tpu.memory_space<vmem>>, %arg2: memref<1024x1xi32, #tpu.memory_space<vmem>>, %arg3: memref<1024x1xbf16, #tpu.memory_space<vmem>>, %arg4: memref<16x1024xbf16, #tpu.memory_space<vmem>>, %arg5: memref<128x1024xbf16, #tpu.memory_space<vmem>>, %arg6: memref<16x64xf32, #tpu.memory_space<vmem>>, %arg7: memref<1x1xf32, #tpu.memory_space<vmem>>) attributes {dimension_semantics = [#tpu.dimension_semantics<arbitrary>], iteration_bounds = array<i64: 8>, scalar_prefetch = 0 : i64, scratch_operands = 0 : i64, tpu.core_type = #tpu.core_type<tc>, window_params = [{transform_indices = @transform_0, window_bounds = array<i64: 3, 1024, 128>}, {transform_indices = @transform_1, window_bounds = array<i64: 1024, 1>}, {transform_indices = @transform_2, window_bounds = array<i64: 1024, 1>}, {pipeline_mode = #tpu.pipeline_mode<synchronous>, transform_indices = @transform_3, window_bounds = array<i64: 16, 1024>}, {pipeline_mode = #tpu.pipeline_mode<synchronous>, transform_indices = @transform_4, window_bounds = array<i64: 128, 1024>}, {pipeline_mode = #tpu.pipeline_mode<synchronous>, transform_indices = @transform_5, window_bounds = array<i64: 16, 64>}, {pipeline_mode = #tpu.pipeline_mode<synchronous>, transform_indices = @transform_6, window_bounds = array<i64: 1, 1>}]} {
    %get3A = arith.constant 0 : index
    %get3A_0 = arith.constant 0 : index
    %get3A_1 = vector.load %arg2[%get3A, %get3A_0] : memref<1024x1xi32, #tpu.memory_space<vmem>>, vector<1024x1xi32>
    %get3A_2 = arith.constant 0 : index
    %get3A_3 = arith.constant 0 : index
    %get3A_4 = vector.load %arg3[%get3A_2, %get3A_3] : memref<1024x1xbf16, #tpu.memory_space<vmem>>, vector<1024x1xbf16>
    %get3A_5 = arith.constant 0 : index
    %get3A_6 = arith.constant 0 : index
    %get3A_7 = vector.load %arg4[%get3A_5, %get3A_6] : memref<16x1024xbf16, #tpu.memory_space<vmem>>, vector<1x1024xbf16>
    %get3A_8 = arith.constant 0 : index
    %get3A_9 = arith.constant 0 : index
    %get3A_10 = vector.load %arg5[%get3A_8, %get3A_9] : memref<128x1024xbf16, #tpu.memory_space<vmem>>, vector<128x1024xbf16>
    %eq3A = vector.broadcast %get3A_7 : vector<1x1024xbf16> to vector<1024x1024xbf16>
    %eq3A_11 = vector.broadcast %get3A_4 : vector<1024x1xbf16> to vector<1024x1024xbf16>
    %eq3A_12 = arith.cmpf oeq, %eq3A, %eq3A_11 : vector<1024x1024xbf16>
    %get3A_13 = arith.constant 0 : index
    %get3A_14 = arith.constant 0 : index
    %get3A_15 = arith.constant 0 : index
    %get3A_16 = vector.load %arg1[%get3A_13, %get3A_14, %get3A_15] : memref<3x1024x128xf32, #tpu.memory_space<vmem>>, vector<1x1024x128xf32>
    %get3A_17 = vector.shape_cast %get3A_16 : vector<1x1024x128xf32> to vector<1024x128xf32>
    %convert_element_type3A = arith.truncf %get3A_17 : vector<1024x128xf32> to vector<1024x128xbf16>
    %dot_general3A = arith.constant dense<0.000000e+00> : vector<1024x1024xf32>
    %dot_general3A_18 = tpu.matmul %convert_element_type3A, %get3A_10, %dot_general3A {dimension_numbers = #tpu.dot_dimension_numbers<[1], [0], [0], [1], [0, 0, 1, 1], [], []>, transpose_lhs_hint = false} : vector<1024x128xbf16>, vector<128x1024xbf16>, vector<1024x1024xf32> -> vector<1024x1024xf32>
    %convert_element_type3A_19 = arith.truncf %dot_general3A_18 : vector<1024x1024xf32> to vector<1024x1024xbf16>
    %jit3A = arith.constant 0.000000e+00 : bf16
    %broadcast_in_dim3A = vector.broadcast %jit3A : bf16 to vector<1024x1024xbf16>
    %select_n3A = arith.select %eq3A_12, %convert_element_type3A_19, %broadcast_in_dim3A : vector<1024x1024xi1>, vector<1024x1024xbf16>
    %slice3A = vector.extract_strided_slice %select_n3A {offsets = [0, 0], sizes = [1024, 128], strides = [1, 1]} : vector<1024x1024xbf16> to vector<1024x128xbf16>
    %slice3A_20 = vector.extract_strided_slice %select_n3A {offsets = [0, 128], sizes = [1024, 128], strides = [1, 1]} : vector<1024x1024xbf16> to vector<1024x128xbf16>
    %add3A = arith.addf %slice3A, %slice3A_20 : vector<1024x128xbf16>
    %slice3A_21 = vector.extract_strided_slice %select_n3A {offsets = [0, 256], sizes = [1024, 128], strides = [1, 1]} : vector<1024x1024xbf16> to vector<1024x128xbf16>
    %add3A_22 = arith.addf %add3A, %slice3A_21 : vector<1024x128xbf16>
    %slice3A_23 = vector.extract_strided_slice %select_n3A {offsets = [0, 384], sizes = [1024, 128], strides = [1, 1]} : vector<1024x1024xbf16> to vector<1024x128xbf16>
    %add3A_24 = arith.addf %add3A_22, %slice3A_23 : vector<1024x128xbf16>
    %slice3A_25 = vector.extract_strided_slice %select_n3A {offsets = [0, 512], sizes = [1024, 128], strides = [1, 1]} : vector<1024x1024xbf16> to vector<1024x128xbf16>
    %add3A_26 = arith.addf %add3A_24, %slice3A_25 : vector<1024x128xbf16>
    %slice3A_27 = vector.extract_strided_slice %select_n3A {offsets = [0, 640], sizes = [1024, 128], strides = [1, 1]} : vector<1024x1024xbf16> to vector<1024x128xbf16>
    %add3A_28 = arith.addf %add3A_26, %slice3A_27 : vector<1024x128xbf16>
    %slice3A_29 = vector.extract_strided_slice %select_n3A {offsets = [0, 768], sizes = [1024, 128], strides = [1, 1]} : vector<1024x1024xbf16> to vector<1024x128xbf16>
    %add3A_30 = arith.addf %add3A_28, %slice3A_29 : vector<1024x128xbf16>
    %slice3A_31 = vector.extract_strided_slice %select_n3A {offsets = [0, 896], sizes = [1024, 128], strides = [1, 1]} : vector<1024x1024xbf16> to vector<1024x128xbf16>
    %add3A_32 = arith.addf %add3A_30, %slice3A_31 : vector<1024x128xbf16>
    %slice3A_33 = vector.extract_strided_slice %add3A_32 {offsets = [0, 0], sizes = [1024, 64], strides = [1, 1]} : vector<1024x128xbf16> to vector<1024x64xbf16>
    %slice3A_34 = vector.extract_strided_slice %add3A_32 {offsets = [0, 64], sizes = [1024, 64], strides = [1, 1]} : vector<1024x128xbf16> to vector<1024x64xbf16>
    %add3A_35 = arith.addf %slice3A_33, %slice3A_34 : vector<1024x64xbf16>
    %convert_element_type3A_36 = arith.extf %add3A_35 : vector<1024x64xbf16> to vector<1024x64xf32>
    %mul3A = arith.mulf %convert_element_type3A_36, %convert_element_type3A_36 : vector<1024x64xf32>
    %reduce_sum3A = arith.constant dense<0.000000e+00> : vector<1024xf32>
    %reduce_sum3A_37 = vector.multi_reduction <add>, %mul3A, %reduce_sum3A [1] : vector<1024x64xf32> to vector<1024xf32>
    %broadcast_in_dim3A_38 = vector.shape_cast %reduce_sum3A_37 : vector<1024xf32> to vector<1024x1xf32>
    %sqrt3A = math.sqrt %broadcast_in_dim3A_38 : vector<1024x1xf32>
    %max3A = arith.constant 9.99999996E-13 : f32
    %max3A_39 = vector.broadcast %max3A : f32 to vector<1024x1xf32>
    %max3A_40 = arith.maximumf %sqrt3A, %max3A_39 : vector<1024x1xf32>
    %div3A = vector.broadcast %max3A_40 : vector<1024x1xf32> to vector<1024x64xf32>
    %div3A_41 = arith.divf %convert_element_type3A_36, %div3A : vector<1024x64xf32>
    %get3A_42 = arith.constant 1 : index
    %get3A_43 = arith.constant 0 : index
    %get3A_44 = arith.constant 0 : index
    %get3A_45 = vector.load %arg1[%get3A_42, %get3A_43, %get3A_44] : memref<3x1024x128xf32, #tpu.memory_space<vmem>>, vector<1x1024x128xf32>
    %get3A_46 = vector.shape_cast %get3A_45 : vector<1x1024x128xf32> to vector<1024x128xf32>
    %convert_element_type3A_47 = arith.truncf %get3A_46 : vector<1024x128xf32> to vector<1024x128xbf16>
    %dot_general3A_48 = arith.constant dense<0.000000e+00> : vector<1024x1024xf32>
    %dot_general3A_49 = tpu.matmul %convert_element_type3A_47, %get3A_10, %dot_general3A_48 {dimension_numbers = #tpu.dot_dimension_numbers<[1], [0], [0], [1], [0, 0, 1, 1], [], []>, transpose_lhs_hint = false} : vector<1024x128xbf16>, vector<128x1024xbf16>, vector<1024x1024xf32> -> vector<1024x1024xf32>
    %convert_element_type3A_50 = arith.truncf %dot_general3A_49 : vector<1024x1024xf32> to vector<1024x1024xbf16>
    %jit3A_51 = arith.constant 0.000000e+00 : bf16
    %broadcast_in_dim3A_52 = vector.broadcast %jit3A_51 : bf16 to vector<1024x1024xbf16>
    %select_n3A_53 = arith.select %eq3A_12, %convert_element_type3A_50, %broadcast_in_dim3A_52 : vector<1024x1024xi1>, vector<1024x1024xbf16>
    %slice3A_54 = vector.extract_strided_slice %select_n3A_53 {offsets = [0, 0], sizes = [1024, 128], strides = [1, 1]} : vector<1024x1024xbf16> to vector<1024x128xbf16>
    %slice3A_55 = vector.extract_strided_slice %select_n3A_53 {offsets = [0, 128], sizes = [1024, 128], strides = [1, 1]} : vector<1024x1024xbf16> to vector<1024x128xbf16>
    %add3A_56 = arith.addf %slice3A_54, %slice3A_55 : vector<1024x128xbf16>
    %slice3A_57 = vector.extract_strided_slice %select_n3A_53 {offsets = [0, 256], sizes = [1024, 128], strides = [1, 1]} : vector<1024x1024xbf16> to vector<1024x128xbf16>
    %add3A_58 = arith.addf %add3A_56, %slice3A_57 : vector<1024x128xbf16>
    %slice3A_59 = vector.extract_strided_slice %select_n3A_53 {offsets = [0, 384], sizes = [1024, 128], strides = [1, 1]} : vector<1024x1024xbf16> to vector<1024x128xbf16>
    %add3A_60 = arith.addf %add3A_58, %slice3A_59 : vector<1024x128xbf16>
    %slice3A_61 = vector.extract_strided_slice %select_n3A_53 {offsets = [0, 512], sizes = [1024, 128], strides = [1, 1]} : vector<1024x1024xbf16> to vector<1024x128xbf16>
    %add3A_62 = arith.addf %add3A_60, %slice3A_61 : vector<1024x128xbf16>
    %slice3A_63 = vector.extract_strided_slice %select_n3A_53 {offsets = [0, 640], sizes = [1024, 128], strides = [1, 1]} : vector<1024x1024xbf16> to vector<1024x128xbf16>
    %add3A_64 = arith.addf %add3A_62, %slice3A_63 : vector<1024x128xbf16>
    %slice3A_65 = vector.extract_strided_slice %select_n3A_53 {offsets = [0, 768], sizes = [1024, 128], strides = [1, 1]} : vector<1024x1024xbf16> to vector<1024x128xbf16>
    %add3A_66 = arith.addf %add3A_64, %slice3A_65 : vector<1024x128xbf16>
    %slice3A_67 = vector.extract_strided_slice %select_n3A_53 {offsets = [0, 896], sizes = [1024, 128], strides = [1, 1]} : vector<1024x1024xbf16> to vector<1024x128xbf16>
    %add3A_68 = arith.addf %add3A_66, %slice3A_67 : vector<1024x128xbf16>
    %slice3A_69 = vector.extract_strided_slice %add3A_68 {offsets = [0, 0], sizes = [1024, 64], strides = [1, 1]} : vector<1024x128xbf16> to vector<1024x64xbf16>
    %slice3A_70 = vector.extract_strided_slice %add3A_68 {offsets = [0, 64], sizes = [1024, 64], strides = [1, 1]} : vector<1024x128xbf16> to vector<1024x64xbf16>
    %add3A_71 = arith.addf %slice3A_69, %slice3A_70 : vector<1024x64xbf16>
    %convert_element_type3A_72 = arith.extf %add3A_71 : vector<1024x64xbf16> to vector<1024x64xf32>
    %mul3A_73 = arith.mulf %convert_element_type3A_72, %convert_element_type3A_72 : vector<1024x64xf32>
    %reduce_sum3A_74 = arith.constant dense<0.000000e+00> : vector<1024xf32>
    %reduce_sum3A_75 = vector.multi_reduction <add>, %mul3A_73, %reduce_sum3A_74 [1] : vector<1024x64xf32> to vector<1024xf32>
    %broadcast_in_dim3A_76 = vector.shape_cast %reduce_sum3A_75 : vector<1024xf32> to vector<1024x1xf32>
    %sqrt3A_77 = math.sqrt %broadcast_in_dim3A_76 : vector<1024x1xf32>
    %max3A_78 = arith.constant 9.99999996E-13 : f32
    %max3A_79 = vector.broadcast %max3A_78 : f32 to vector<1024x1xf32>
    %max3A_80 = arith.maximumf %sqrt3A_77, %max3A_79 : vector<1024x1xf32>
    %div3A_81 = vector.broadcast %max3A_80 : vector<1024x1xf32> to vector<1024x64xf32>
    %div3A_82 = arith.divf %convert_element_type3A_72, %div3A_81 : vector<1024x64xf32>
    %get3A_83 = arith.constant 2 : index
    %get3A_84 = arith.constant 0 : index
    %get3A_85 = arith.constant 0 : index
    %get3A_86 = vector.load %arg1[%get3A_83, %get3A_84, %get3A_85] : memref<3x1024x128xf32, #tpu.memory_space<vmem>>, vector<1x1024x128xf32>
    %get3A_87 = vector.shape_cast %get3A_86 : vector<1x1024x128xf32> to vector<1024x128xf32>
    %convert_element_type3A_88 = arith.truncf %get3A_87 : vector<1024x128xf32> to vector<1024x128xbf16>
    %dot_general3A_89 = arith.constant dense<0.000000e+00> : vector<1024x1024xf32>
    %dot_general3A_90 = tpu.matmul %convert_element_type3A_88, %get3A_10, %dot_general3A_89 {dimension_numbers = #tpu.dot_dimension_numbers<[1], [0], [0], [1], [0, 0, 1, 1], [], []>, transpose_lhs_hint = false} : vector<1024x128xbf16>, vector<128x1024xbf16>, vector<1024x1024xf32> -> vector<1024x1024xf32>
    %convert_element_type3A_91 = arith.truncf %dot_general3A_90 : vector<1024x1024xf32> to vector<1024x1024xbf16>
    %jit3A_92 = arith.constant 0.000000e+00 : bf16
    %broadcast_in_dim3A_93 = vector.broadcast %jit3A_92 : bf16 to vector<1024x1024xbf16>
    %select_n3A_94 = arith.select %eq3A_12, %convert_element_type3A_91, %broadcast_in_dim3A_93 : vector<1024x1024xi1>, vector<1024x1024xbf16>
    %slice3A_95 = vector.extract_strided_slice %select_n3A_94 {offsets = [0, 0], sizes = [1024, 128], strides = [1, 1]} : vector<1024x1024xbf16> to vector<1024x128xbf16>
    %slice3A_96 = vector.extract_strided_slice %select_n3A_94 {offsets = [0, 128], sizes = [1024, 128], strides = [1, 1]} : vector<1024x1024xbf16> to vector<1024x128xbf16>
    %add3A_97 = arith.addf %slice3A_95, %slice3A_96 : vector<1024x128xbf16>
    %slice3A_98 = vector.extract_strided_slice %select_n3A_94 {offsets = [0, 256], sizes = [1024, 128], strides = [1, 1]} : vector<1024x1024xbf16> to vector<1024x128xbf16>
    %add3A_99 = arith.addf %add3A_97, %slice3A_98 : vector<1024x128xbf16>
    %slice3A_100 = vector.extract_strided_slice %select_n3A_94 {offsets = [0, 384], sizes = [1024, 128], strides = [1, 1]} : vector<1024x1024xbf16> to vector<1024x128xbf16>
    %add3A_101 = arith.addf %add3A_99, %slice3A_100 : vector<1024x128xbf16>
    %slice3A_102 = vector.extract_strided_slice %select_n3A_94 {offsets = [0, 512], sizes = [1024, 128], strides = [1, 1]} : vector<1024x1024xbf16> to vector<1024x128xbf16>
    %add3A_103 = arith.addf %add3A_101, %slice3A_102 : vector<1024x128xbf16>
    %slice3A_104 = vector.extract_strided_slice %select_n3A_94 {offsets = [0, 640], sizes = [1024, 128], strides = [1, 1]} : vector<1024x1024xbf16> to vector<1024x128xbf16>
    %add3A_105 = arith.addf %add3A_103, %slice3A_104 : vector<1024x128xbf16>
    %slice3A_106 = vector.extract_strided_slice %select_n3A_94 {offsets = [0, 768], sizes = [1024, 128], strides = [1, 1]} : vector<1024x1024xbf16> to vector<1024x128xbf16>
    %add3A_107 = arith.addf %add3A_105, %slice3A_106 : vector<1024x128xbf16>
    %slice3A_108 = vector.extract_strided_slice %select_n3A_94 {offsets = [0, 896], sizes = [1024, 128], strides = [1, 1]} : vector<1024x1024xbf16> to vector<1024x128xbf16>
    %add3A_109 = arith.addf %add3A_107, %slice3A_108 : vector<1024x128xbf16>
    %slice3A_110 = vector.extract_strided_slice %add3A_109 {offsets = [0, 0], sizes = [1024, 64], strides = [1, 1]} : vector<1024x128xbf16> to vector<1024x64xbf16>
    %slice3A_111 = vector.extract_strided_slice %add3A_109 {offsets = [0, 64], sizes = [1024, 64], strides = [1, 1]} : vector<1024x128xbf16> to vector<1024x64xbf16>
    %add3A_112 = arith.addf %slice3A_110, %slice3A_111 : vector<1024x64xbf16>
    %convert_element_type3A_113 = arith.extf %add3A_112 : vector<1024x64xbf16> to vector<1024x64xf32>
    %mul3A_114 = arith.mulf %convert_element_type3A_113, %convert_element_type3A_113 : vector<1024x64xf32>
    %reduce_sum3A_115 = arith.constant dense<0.000000e+00> : vector<1024xf32>
    %reduce_sum3A_116 = vector.multi_reduction <add>, %mul3A_114, %reduce_sum3A_115 [1] : vector<1024x64xf32> to vector<1024xf32>
    %broadcast_in_dim3A_117 = vector.shape_cast %reduce_sum3A_116 : vector<1024xf32> to vector<1024x1xf32>
    %sqrt3A_118 = math.sqrt %broadcast_in_dim3A_117 : vector<1024x1xf32>
    %max3A_119 = arith.constant 9.99999996E-13 : f32
    %max3A_120 = vector.broadcast %max3A_119 : f32 to vector<1024x1xf32>
    %max3A_121 = arith.maximumf %sqrt3A_118, %max3A_120 : vector<1024x1xf32>
    %div3A_122 = vector.broadcast %max3A_121 : vector<1024x1xf32> to vector<1024x64xf32>
    %div3A_123 = arith.divf %convert_element_type3A_113, %div3A_122 : vector<1024x64xf32>
    %iota3A = tpu.iota {dimensions = array<i32: 1>} : vector<1024x16xi32>
    %eq3A_124 = vector.broadcast %get3A_1 : vector<1024x1xi32> to vector<1024x16xi32>
    %eq3A_125 = arith.cmpi eq, %eq3A_124, %iota3A : vector<1024x16xi32>
    %convert_element_type3A_126 = arith.extui %eq3A_125 : vector<1024x16xi1> to vector<1024x16xi32>
    %convert_element_type3A_127 = arith.sitofp %convert_element_type3A_126 : vector<1024x16xi32> to vector<1024x16xf32>
    %get3A_128 = arith.constant 0 : index
    %get3A_129 = arith.constant 0 : index
    %get3A_130 = vector.load %arg6[%get3A_128, %get3A_129] : memref<16x64xf32, #tpu.memory_space<vmem>>, vector<16x64xf32>
    %mul3A_131 = arith.mulf %get3A_130, %get3A_130 : vector<16x64xf32>
    %reduce_sum3A_132 = arith.constant dense<0.000000e+00> : vector<16xf32>
    %reduce_sum3A_133 = vector.multi_reduction <add>, %mul3A_131, %reduce_sum3A_132 [1] : vector<16x64xf32> to vector<16xf32>
    %broadcast_in_dim3A_134 = vector.shape_cast %reduce_sum3A_133 : vector<16xf32> to vector<16x1xf32>
    %sqrt3A_135 = math.sqrt %broadcast_in_dim3A_134 : vector<16x1xf32>
    %max3A_136 = arith.constant 9.99999996E-13 : f32
    %max3A_137 = vector.broadcast %max3A_136 : f32 to vector<16x1xf32>
    %max3A_138 = arith.maximumf %sqrt3A_135, %max3A_137 : vector<16x1xf32>
    %div3A_139 = vector.broadcast %max3A_138 : vector<16x1xf32> to vector<16x64xf32>
    %div3A_140 = arith.divf %get3A_130, %div3A_139 : vector<16x64xf32>
    %dot_general3A_141 = arith.constant dense<0.000000e+00> : vector<1024x64xf32>
    %dot_general3A_142 = tpu.matmul %convert_element_type3A_127, %div3A_140, %dot_general3A_141 {dimension_numbers = #tpu.dot_dimension_numbers<[1], [0], [0], [1], [0, 0, 1, 1], [], []>, transpose_lhs_hint = false} : vector<1024x16xf32>, vector<16x64xf32>, vector<1024x64xf32> -> vector<1024x64xf32>
    %add3A_143 = arith.addf %div3A_41, %dot_general3A_142 : vector<1024x64xf32>
    %sub3A = arith.subf %add3A_143, %div3A_82 : vector<1024x64xf32>
    %add3A_144 = arith.addf %div3A_41, %dot_general3A_142 : vector<1024x64xf32>
    %sub3A_145 = arith.subf %add3A_144, %div3A_123 : vector<1024x64xf32>
    %mul3A_146 = arith.mulf %sub3A, %sub3A : vector<1024x64xf32>
    %reduce_sum3A_147 = arith.constant dense<0.000000e+00> : vector<1024xf32>
    %reduce_sum3A_148 = vector.multi_reduction <add>, %mul3A_146, %reduce_sum3A_147 [1] : vector<1024x64xf32> to vector<1024xf32>
    %broadcast_in_dim3A_149 = vector.shape_cast %reduce_sum3A_148 : vector<1024xf32> to vector<1024x1xf32>
    %mul3A_150 = arith.mulf %sub3A_145, %sub3A_145 : vector<1024x64xf32>
    %reduce_sum3A_151 = arith.constant dense<0.000000e+00> : vector<1024xf32>
    %reduce_sum3A_152 = vector.multi_reduction <add>, %mul3A_150, %reduce_sum3A_151 [1] : vector<1024x64xf32> to vector<1024xf32>
    %broadcast_in_dim3A_153 = vector.shape_cast %reduce_sum3A_152 : vector<1024xf32> to vector<1024x1xf32>
    %sub3A_154 = arith.subf %broadcast_in_dim3A_153, %broadcast_in_dim3A_149 : vector<1024x1xf32>
    %neg3A = arith.constant 0.000000e+00 : f32
    %neg3A_155 = vector.broadcast %neg3A : f32 to vector<1024x1xf32>
    %neg3A_156 = arith.subf %neg3A_155, %sub3A_154 : vector<1024x1xf32>
    %max3A_157 = arith.constant 0.000000e+00 : f32
    %max3A_158 = vector.broadcast %max3A_157 : f32 to vector<1024x1xf32>
    %max3A_159 = arith.maximumf %neg3A_156, %max3A_158 : vector<1024x1xf32>
    %abs3A = math.absf %sub3A_154 : vector<1024x1xf32>
    %neg3A_160 = arith.constant 0.000000e+00 : f32
    %neg3A_161 = vector.broadcast %neg3A_160 : f32 to vector<1024x1xf32>
    %neg3A_162 = arith.subf %neg3A_161, %abs3A : vector<1024x1xf32>
    %exp3A = math.exp %neg3A_162 : vector<1024x1xf32>
    %add3A_163 = arith.constant 1.000000e+00 : f32
    %add3A_164 = vector.broadcast %add3A_163 : f32 to vector<1024x1xf32>
    %add3A_165 = arith.addf %add3A_164, %exp3A : vector<1024x1xf32>
    %log3A = math.log %add3A_165 : vector<1024x1xf32>
    %add3A_166 = arith.addf %max3A_159, %log3A : vector<1024x1xf32>
    %mul3A_167 = arith.mulf %div3A_41, %div3A_41 : vector<1024x64xf32>
    %reduce_sum3A_168 = vector.shape_cast %mul3A_167 : vector<1024x64xf32> to vector<1x1024x64xf32>
    %reduce_sum3A_169 = arith.constant dense<0.000000e+00> : vector<1xf32>
    %reduce_sum3A_170 = vector.multi_reduction <add>, %reduce_sum3A_168, %reduce_sum3A_169 [1, 2] : vector<1x1024x64xf32> to vector<1xf32>
    %reduce_sum3A_171 = vector.shape_cast %reduce_sum3A_170 : vector<1xf32> to vector<1x1x1xf32>
    %reduce_sum3A_172 = vector.extract %reduce_sum3A_171[0, 0, 0] : f32 from vector<1x1x1xf32>
    %mul3A_173 = arith.mulf %dot_general3A_142, %dot_general3A_142 : vector<1024x64xf32>
    %reduce_sum3A_174 = vector.shape_cast %mul3A_173 : vector<1024x64xf32> to vector<1x1024x64xf32>
    %reduce_sum3A_175 = arith.constant dense<0.000000e+00> : vector<1xf32>
    %reduce_sum3A_176 = vector.multi_reduction <add>, %reduce_sum3A_174, %reduce_sum3A_175 [1, 2] : vector<1x1024x64xf32> to vector<1xf32>
    %reduce_sum3A_177 = vector.shape_cast %reduce_sum3A_176 : vector<1xf32> to vector<1x1x1xf32>
    %reduce_sum3A_178 = vector.extract %reduce_sum3A_177[0, 0, 0] : f32 from vector<1x1x1xf32>
    %add3A_179 = arith.addf %reduce_sum3A_172, %reduce_sum3A_178 : f32
    %mul3A_180 = arith.mulf %div3A_82, %div3A_82 : vector<1024x64xf32>
    %reduce_sum3A_181 = vector.shape_cast %mul3A_180 : vector<1024x64xf32> to vector<1x1024x64xf32>
    %reduce_sum3A_182 = arith.constant dense<0.000000e+00> : vector<1xf32>
    %reduce_sum3A_183 = vector.multi_reduction <add>, %reduce_sum3A_181, %reduce_sum3A_182 [1, 2] : vector<1x1024x64xf32> to vector<1xf32>
    %reduce_sum3A_184 = vector.shape_cast %reduce_sum3A_183 : vector<1xf32> to vector<1x1x1xf32>
    %reduce_sum3A_185 = vector.extract %reduce_sum3A_184[0, 0, 0] : f32 from vector<1x1x1xf32>
    %add3A_186 = arith.addf %add3A_179, %reduce_sum3A_185 : f32
    %mul3A_187 = arith.mulf %div3A_123, %div3A_123 : vector<1024x64xf32>
    %reduce_sum3A_188 = vector.shape_cast %mul3A_187 : vector<1024x64xf32> to vector<1x1024x64xf32>
    %reduce_sum3A_189 = arith.constant dense<0.000000e+00> : vector<1xf32>
    %reduce_sum3A_190 = vector.multi_reduction <add>, %reduce_sum3A_188, %reduce_sum3A_189 [1, 2] : vector<1x1024x64xf32> to vector<1xf32>
    %reduce_sum3A_191 = vector.shape_cast %reduce_sum3A_190 : vector<1xf32> to vector<1x1x1xf32>
    %reduce_sum3A_192 = vector.extract %reduce_sum3A_191[0, 0, 0] : f32 from vector<1x1x1xf32>
    %add3A_193 = arith.addf %add3A_186, %reduce_sum3A_192 : f32
    %mul3A_194 = arith.constant 5.000000e-01 : f32
    %mul3A_195 = arith.mulf %mul3A_194, %add3A_193 : f32
    %reduce_sum3A_196 = vector.shape_cast %add3A_166 : vector<1024x1xf32> to vector<1x1024x1xf32>
    %reduce_sum3A_197 = arith.constant dense<0.000000e+00> : vector<1xf32>
    %reduce_sum3A_198 = vector.multi_reduction <add>, %reduce_sum3A_196, %reduce_sum3A_197 [1, 2] : vector<1x1024x1xf32> to vector<1xf32>
    %reduce_sum3A_199 = vector.shape_cast %reduce_sum3A_198 : vector<1xf32> to vector<1x1x1xf32>
    %reduce_sum3A_200 = vector.extract %reduce_sum3A_199[0, 0, 0] : f32 from vector<1x1x1xf32>
    %mul3A_201 = arith.constant 0.00999999977 : f32
    %mul3A_202 = arith.mulf %mul3A_201, %mul3A_195 : f32
    %add3A_203 = arith.addf %reduce_sum3A_200, %mul3A_202 : f32
    %mul3A_204 = arith.constant 6.10351563E-5 : f32
    %mul3A_205 = arith.mulf %add3A_203, %mul3A_204 : f32
    %reshape3A = vector.broadcast %mul3A_205 : f32 to vector<1x1xf32>
    %eq3A_206 = arith.constant 0 : i32
    %eq3A_207 = arith.cmpi eq, %arg0, %eq3A_206 : i32
    %get3A_208 = arith.constant 0 : index
    %get3A_209 = arith.constant 0 : index
    %get3A_210 = vector.load %arg7[%get3A_208, %get3A_209] : memref<1x1xf32, #tpu.memory_space<vmem>>, vector<1x1xf32>
    %add3A_211 = arith.addf %get3A_210, %reshape3A : vector<1x1xf32>
    %select_n3A_212 = arith.select %eq3A_207, %reshape3A, %add3A_211 : vector<1x1xf32>
    %swap3A = arith.constant 0 : index
    %swap3A_213 = arith.constant 0 : index
    %swap3A_214 = vector.load %arg7[%swap3A, %swap3A_213] : memref<1x1xf32, #tpu.memory_space<vmem>>, vector<1x1xf32>
    tpu.vector_store %arg7[%swap3A, %swap3A_213], %select_n3A_212 {strides = array<i32>} : memref<1x1xf32, #tpu.memory_space<vmem>>, vector<1x1xf32>,
    return
  }
  func.func @transform_0(%arg0: i32) -> (i32, i32, i32) {
    %c0_i32 = arith.constant 0 : i32
    %c0_i32_0 = arith.constant 0 : i32
    %c0_i32_1 = arith.constant 0 : i32
    return %c0_i32, %arg0, %c0_i32_0 : i32, i32, i32
  }
  func.func @transform_1(%arg0: i32) -> (i32, i32) {
    %add3A = arith.constant 0 : i32
    %add3A_0 = arith.addi %add3A, %arg0 : i32
    %c0_i32 = arith.constant 0 : i32
    %c0_i32_1 = arith.constant 0 : i32
    return %add3A_0, %c0_i32 : i32, i32
  }
  func.func @transform_2(%arg0: i32) -> (i32, i32) {
    %add3A = arith.constant 0 : i32
    %add3A_0 = arith.addi %add3A, %arg0 : i32
    %c0_i32 = arith.constant 0 : i32
    %c0_i32_1 = arith.constant 0 : i32
    return %add3A_0, %c0_i32 : i32, i32
  }
  func.func @transform_3(%arg0: i32) -> (i32, i32) {
    %c0_i32 = arith.constant 0 : i32
    %c0_i32_0 = arith.constant 0 : i32
    %c0_i32_1 = arith.constant 0 : i32
    return %c0_i32, %c0_i32_0 : i32, i32
  }
  func.func @transform_4(%arg0: i32) -> (i32, i32) {
    %c0_i32 = arith.constant 0 : i32
    %c0_i32_0 = arith.constant 0 : i32
    %c0_i32_1 = arith.constant 0 : i32
    return %c0_i32, %c0_i32_0 : i32, i32
  }
  func.func @transform_5(%arg0: i32) -> (i32, i32) {
    %c0_i32 = arith.constant 0 : i32
    %c0_i32_0 = arith.constant 0 : i32
    %c0_i32_1 = arith.constant 0 : i32
    return %c0_i32, %c0_i32_0 : i32, i32
  }
  func.func @transform_6(%arg0: i32) -> (i32, i32) {
    %c0_i32 = arith.constant 0 : i32
    %c0_i32_0 = arith.constant 0 : i32
    %c0_i32_1 = arith.constant 0 : i32
    return %c0_i32, %c0_i32_0 : i32, i32
  }
}

</mosaic_0001>

<sc_bundles>
// kernel: kernel.6.cloned.1.call-start
scs
__scs_entry_jumppad:
0x0: {  	(pc) =	sbr.rel $0x88, $3  }
0x1: {  	(tag) =	ssettag $0x0;
	lr =	simm.s32 $0x1  }
0x2: {  	[smem:$0x3F9A] =	sst lr;
	_ =	strace $0xD0000000  }
0x3: {  	_ = 	snop  }
0x4: {  	_ = 	snop  }
0x5: {  	_ = 	snop  }
0x6: {  	_ = 	snop  }
0x7: {  	_ = 	snop  }
__scs_overlays_trampoline_lowered:
0x8: {  	[smem:$0x3FA9] =	sst s0  }
0x9: {  	[smem:$0x3FAA] =	sst s1  }
0xa: {  	[smem:$0x3FAB] =	sst s2  }
0xb: {  	[smem:$0x3FAC] =	sst s3  }
0xc: {  	[smem:$0x3FAD] =	sst s4  }
0xd: {  	[smem:$0x3FAE] =	sst s5  }
0xe: {  	[smem:$0x3FAF] =	sst s6  }
0xf: {  	[smem:$0x3FB0] =	sst s7  }
0x10: {  	[smem:$0x3FB1] =	sst s8  }
0x11: {  	[smem:$0x3FB2] =	sst s9;
	s0 =	simm.s32 @!p0 $0x0  }
0x12: {  	s1 =	sld [smem:$0x3F98];
	s0 =	simm.s32 @p0 $0x1  }
0x13: {  	[smem:$0x3FB3] =	sst s0;
	s0 =	simm.s32 @!p1 $0x0  }
0x14: {  	s2 =	sld [smem:$0x3F97];
	s0 =	simm.s32 @p1 $0x1  }
0x15: {  	[smem:$0x3FB4] =	sst s0;
	s0 =	simm.s32 @!p2 $0x0  }
0x16: {  	s3 =	sld [smem:$0x3FDB];
	s0 =	simm.s32 @p2 $0x1  }
0x17: {  	s4 =	simm.s32 $0x1BF5;
	[smem:$0x3FB6] =	sst s0  }
0x18: {  	s0 =	sld [smem:$0x3F99];
	_ =	swait.ge [sflag:s4], $0x0  }
0x19: {  	s7 =	sld [smem:$0x3F9A]  }
0x1a: {  	s8 =	sadd.s32 $0xFFFFE003, lr  }
0x1b: {  	s9 =	sadd.s32 $0xFFFFFEF7, lr;
	s5 =	simm.s32 $0xFFFFFFFF;
	p2 =	slt.u32 s8, $0xFFFFF086  }
0x1c: {  	p1 =	slt.u32 s9, $0xF7A;
	s5 =	simm.s32 @!p2 $0x0  }
0x1d: {  	s5 =	simm.s32 @p1 $0x1;
	p0 =	seq.s32 s7, s2  }
0x1e: {  	s7 =	smul.u32 @!p0 $0xF7A, s2;
	p2 =	seq.s32 @!p0 s5, $0x0  }
0x1f: {  	s9 =	smul.u32 $0xF7A, s1;
	s8 =	simm.s32 @!p0 $0x1BF5;
	p2 =	por !p2, p0  }
0x20: {  	[sflag:s8] =	ssyncset.s32 @!p0 $0xFFFFF086;
	s6 =	sadd.s32 @!p0 s3, s7;
	s7 =	simm.s32 @!p0 $0x108  }
0x21: {  	s3 =	sadd.s32 s3, s9;
	s6 =	sadd.s32 @!p0 $0x88, s6;
	s7 =	simm.s32 @p2 $0x1082  }
0x22: {  	[simem:s7], [sflag:s8] =	dma.local @!p0 [hbm:s6], $0xF7A  }
0x23: {  	s9 =	sor.u32 $0xD0000000, s2;
	s6 =	simm.s32 $0x108;
	_ =	swait.ge @!p0 [sflag:s8], $0x0  }
0x24: {  	s3 =	sadd.s32 $0x88, s3;
	s6 =	simm.s32 @!p1 $0x1082;
	[sflag:s4] =	ssyncset.s32 $0xFFFFF086  }
0x25: {  	[simem:s6], [sflag:s4] =	dma.local [hbm:s3], $0xF7A  }
0x26: {  	[smem:$0x3F9A] =	sst s1;
	(tag) =	ssettag s2;
	_ =	strace s9  }
0x27: {  	s1 =	sld [smem:$0x3FAA]  }
0x28: {  	s2 =	sld [smem:$0x3FAB]  }
0x29: {  	s4 =	sld [smem:$0x3FAD]  }
0x2a: {  	p0 =	seq.s32 s5, $0x0;
	s5 =	sld [smem:$0x3FAE]  }
0x2b: {  	s6 =	sld [smem:$0x3FAF]  }
0x2c: {  	s7 =	sld [smem:$0x3FB0]  }
0x2d: {  	s3 =	simm.s32 $0x108;
	s8 =	sld [smem:$0x3FB1]  }
0x2e: {  	s3 =	simm.s32 @!p0 $0x1082;
	s9 =	sld [smem:$0x3FB2]  }
0x2f: {  	lr =	sadd.s32 s0, s3;
	s0 =	sld [smem:$0x3FA9]  }
0x30: {  	s3 =	sld [smem:$0x3FAC]  }
0x31: {  	[smem:$0x3FB5] =	sst s10  }
0x32: {  	s10 =	sld [smem:$0x3FB3];
	_ =	sdelay $0x3  }
0x33: {  	p0 =	seq.s32 s10, $0x1;
	s10 =	sld [smem:$0x3FB5];
	_ =	sdelay $0x3  }
0x34: {  	[smem:$0x3FB5] =	sst s10  }
0x35: {  	s10 =	sld [smem:$0x3FB4];
	_ =	sdelay $0x3  }
0x36: {  	p1 =	seq.s32 s10, $0x1;
	s10 =	sld [smem:$0x3FB5];
	_ =	sdelay $0x3  }
0x37: {  	[smem:$0x3FB5] =	sst s10  }
0x38: {  	s10 =	sld [smem:$0x3FB6]  }
0x39: {  	_ = 	snop;
	(pc) =	sbr.ind lr, $3  }
0x3a: {  	_ = 	snop  }
0x3b: {  	_ = 	snop  }
0x3c: {  	p2 =	seq.s32 s10, $0x1;
	s10 =	sld [smem:$0x3FB5]  }
0x3d: {  	_ =	shalt  }
0x3e: {  	_ =	shalt  }
0x3f: {  	_ =	shalt  }
0x40: {  	_ =	shalt  }
0x41: {  	_ =	shalt  }
0x42: {  	_ =	shalt  }
0x43: {  	_ =	shalt  }
0x44: {  	_ =	shalt  }
0x45: {  	_ =	shalt  }
0x46: {  	_ =	shalt  }
0x47: {  	_ =	shalt  }
0x48: {  	_ =	shalt  }
0x49: {  	_ =	shalt  }
0x4a: {  	_ =	shalt  }
0x4b: {  	_ =	shalt  }
0x4c: {  	_ =	shalt  }
0x4d: {  	_ =	shalt  }
0x4e: {  	_ =	shalt  }
0x4f: {  	_ =	shalt  }
0x50: {  	_ =	shalt  }
0x51: {  	_ =	shalt  }
0x52: {  	_ =	shalt  }
0x53: {  	_ =	shalt  }
0x54: {  	_ =	shalt  }
0x55: {  	_ =	shalt  }
0x56: {  	_ =	shalt  }
0x57: {  	_ =	shalt  }
0x58: {  	_ =	shalt  }
0x59: {  	_ =	shalt  }
0x5a: {  	_ =	shalt  }
0x5b: {  	_ =	shalt  }
0x5c: {  	_ =	shalt  }
0x5d: {  	_ =	shalt  }
0x5e: {  	_ =	shalt  }
0x5f: {  	_ =	shalt  }
0x60: {  	_ =	shalt  }
0x61: {  	_ =	shalt  }
0x62: {  	_ =	shalt  }
0x63: {  	_ =	shalt  }
0x64: {  	_ =	shalt  }
0x65: {  	_ =	shalt  }
0x66: {  	_ =	shalt  }
0x67: {  	_ =	shalt  }
0x68: {  	_ =	shalt  }
0x69: {  	_ =	shalt  }
0x6a: {  	_ =	shalt  }
0x6b: {  	_ =	shalt  }
0x6c: {  	_ =	shalt  }
0x6d: {  	_ =	shalt  }
0x6e: {  	_ =	shalt  }
0x6f: {  	_ =	shalt  }
0x70: {  	_ =	shalt  }
0x71: {  	_ =	shalt  }
0x72: {  	_ =	shalt  }
0x73: {  	_ =	shalt  }
0x74: {  	_ =	shalt  }
0x75: {  	_ =	shalt  }
0x76: {  	_ =	shalt  }
0x77: {  	_ =	shalt  }
0x78: {  	_ =	shalt  }
0x79: {  	_ =	shalt  }
0x7a: {  	_ =	shalt  }
0x7b: {  	_ =	shalt  }
0x7c: {  	_ =	shalt  }
0x7d: {  	_ =	shalt  }
0x7e: {  	_ =	shalt  }
0x7f: {  	_ =	shalt  }
0x80: {  	_ =	shalt  }
0x81: {  	_ =	shalt  }
0x82: {  	_ =	shalt  }
0x83: {  	_ =	shalt  }
0x84: {  	_ =	shalt  }
0x85: {  	_ =	shalt  }
0x86: {  	_ =	shalt  }
0x87: {  	_ =	shalt  }
.Lfunc_end0:
.L_simem_size_0:
called_computation_lowered:
.L_overlay_start_0:
0x88: {  	s2 =	sld [smem:$0x3FD9]  }
0x89: {  	s3 =	sld [smem:$0x3FFE];
	_ =	sdelay $0x1  }
0x8a: {  	s1 =	srdreg.scid  }
0x8b: {  	s0 =	sand.u32 $0x1, s1  }
0x8c: {  	s17 =	sshll.u32 s0, $0xA;
	s2 =	sadd.s32 s3, s2  }
0x8d: {  	s2 =	sadd.s32 s2, s17  }
0x8e: {  	[smem:$0x3FC1] =	sst s2  }
0x8f: {  	_ = 	snop  }
0x90: {  	s18 =	sld [smem:$0x3FC9]  }
0x91: {  	s4 =	sld [smem:$0x3FC6]  }
0x92: {  	s5 =	sld [smem:$0x3FC4]  }
0x93: {  	s6 =	sld [smem:$0x3FC3];
	(tm) =	ssettm $0x1  }
0x94: {  	s19 =	sld [smem:$0x3FFB];
	_ =	sdelay $0x3  }
0x95: {  	_ =	strace s19  }
0x96: {  	s2 =	sld [smem:$0x3FFC];
	_ =	sdelay $0x3  }
0x97: {  	_ =	strace s2  }
0x98: {  	s2 =	sld [smem:$0x3FFD];
	_ =	sdelay $0x3  }
0x99: {  	_ =	strace s2  }
0x9a: {  	_ =	strace $0x8FFFFFFF  }
0x9b: {  	s20 =	sld [smem:$0x3FDB];
	_ =	sdelay $0x1  }
0x9c: {  	s7 =	simm.s32 $_scs_section_size  }
0x9d: {  	s8 =	simm.s32 $_size__tile_overlayer_lowered;
	s9 =	simm.s32 $_tile_overlayer_lowered  }
0x9e: {  	s10 =	simm.s32 $0x1BFF;
	s21 =	sshll.u32 s9, $0x1;
	s7 =	sadd.s32 s7, s20  }
0x9f: {  	s22 =	simm.s32 $0x0;
	s8 =	sshll.u32 s8, $0x1;
	s9 =	sadd.s32 s21, s7  }
0xa0: {  	[timem:s22], [sflag:s10] =	dma.local [hbm:s9], s8  }
0xa1: {  	_ =	swait.ge [sflag:s10], s8  }
0xa2: {  	s8 =	ssub.s32 $0x0, s8;
	[sflag:s10] =	ssyncset.done $0x0  }
0xa3: {  	[sflag:s10] =	ssyncadd.s32 s8;
	_ =	sdelay $0x1  }
0xa4: {  	s23 =	simm.s32 $0x1B8B  }
0xa5: {  	_ =	swait.ge [sflag:s23], $0x1  }
0xa6: {  	[sflag:s23] =	ssyncset.done $0x0  }
0xa7: {  	[sflag:s23] =	ssyncadd.s32 $0xFFFFFFFF  }
0xa8: {  	s8 =	sld [smem:$0x0]  }
0xa9: {  	s9 =	sand.u32 $0xFFFFFFFE, s1  }
0xaa: {  	p0 =	sne.s32 s1, s9  }
0xab: {  	s9 =	sshll.u32 @p0 s9, $0xE  }
0xac: {  	s9 =	sadd.s32 @p0 $0x11B8D, s9;
	s10 =	sshll.u32 @p0 s8, $0x11  }
0xad: {  	s9 =	sor.u32 @p0 s10, s9  }
0xae: {  	[sflag:s9] =	ssyncadd.remote.s32 @p0 $0x1;
	_ =	sdelay $0x1  }
0xaf: {  	s9 =	simm.s32 @p0 $0x1B8D  }
0xb0: {  	_ =	swait.eq @p0 [sflag:s9], $0x1  }
0xb1: {  	[sflag:s9] =	ssyncadd.s32 @p0 $0xFFFFFFFF  }
0xb2: {  	s10 =	sshll.u32 @!p0 s1, $0xE  }
0xb3: {  	s10 =	sor.u32 @!p0 $0x4000, s10;
	s9 =	simm.s32 @!p0 $0x1B8D  }
0xb4: {  	s8 =	sshll.u32 @!p0 s8, $0x11;
	s10 =	sadd.s32 @!p0 $0x11B8D, s10;
	_ =	swait.eq @!p0 [sflag:s9], $0x1  }
0xb5: {  	s8 =	sor.u32 @!p0 s8, s10;
	[sflag:s9] =	ssyncadd.s32 @!p0 $0xFFFFFFFF  }
0xb6: {  	s25 =	simm.s32 $0x1B8E;
	s24 =	sld [smem:$0x3FFE];
	[sflag:s8] =	ssyncadd.remote.s32 @!p0 $0x1  }
0xb7: {  	s26 =	simm.s32 $execute0_lowered;
	[smem:$0x3FD2] =	sst s25  }
0xb8: {  	s9 =	sshll.u32 s26, $0x1;
	_ =	strace $0x80000049;
	[dreg:$0x1] =	wrdreg $0xFFFFFFFF  }
0xb9: {  	s28 =	simm.s32 $_size_execute0_lowered;
	s7 =	sadd.s32 s7, s9;
	[dreg:$0x0] =	wrdreg $0x0  }
0xba: {  	s9 =	sshll.u32 s28, $0x1;
	[dreg:$0x2] =	wrdreg s7  }
0xbb: {  	[dreg:$0x3] =	wrdreg s9  }
0xbc: {  	[dreg:$0x4] =	wrdreg $0xC0  }
0xbd: {  	_ =	task [dreg:s22], $0x5FFFF  }
0xbe: {  	[dreg:$0x1] =	wrdreg $0xFFFFFFFF  }
0xbf: {  	[dreg:$0x0] =	wrdreg $0x60  }
0xc0: {  	[dreg:$0x2] =	wrdreg s4  }
0xc1: {  	[dreg:$0x3] =	wrdreg s5  }
0xc2: {  	[dreg:$0x4] =	wrdreg s6  }
0xc3: {  	[dreg:$0x5] =	wrdreg s18  }
0xc4: {  	[dreg:$0x6] =	wrdreg s24  }
0xc5: {  	[dreg:$0x7] =	wrdreg $0x9  }
0xc6: {  	_ =	task.clear_ibuf [dreg:s22], $0x8FFFF;
	_ =	strace $0x90000049  }
0xc7: {  	s29 =	simm.s32 $0x9;
	_ =	strace $0x8000004B  }
0xc8: {  	_ =	swait.ge [sflag:s29], $0x1  }
0xc9: {  	[sflag:s29] =	ssyncadd.s32 $0xFFFFFFFF  }
0xca: {  	_ =	strace $0x9000004B  }
0xcb: {  	_ =	sfence  }
0xcc: {  	s30 =	sld [smem:$0x0];
	_ =	sdelay $0x2  }
0xcd: {  	s31 =	sshll.u32 s1, $0xD;
	s1 =	sshrl.u32 s1, $0x2  }
0xce: {  	s4 =	sand.u32 $0x4000, s31;
	s1 =	sadd.s32 s1, s30  }
0xcf: {  	s0 =	sor.u32 s4, s0;
	s1 =	sshll.u32 s1, $0x11  }
0xd0: {  	s0 =	sor.u32 s1, s0  }
0xd1: {  	s0 =	sadd.s32 $0x8F2B, s0  }
0xd2: {  	[sflag:s0] =	ssyncadd.remote.s32 $0x1  }
0xd3: {  	_ =	sfence.sel $0xFFFF  }
0xd4: {  	[dreg:$0x0] =	wrdreg $0xFFFFFFFF;
	(pc) =	sbr.abs _section_cstart, $3  }
0xd5: {  	[dreg:$0x1] =	wrdreg $0xFFFFFFFF  }
0xd6: {  	_ =	task.clear_ibuf [dreg:s22], $0x2FFFF;
	_ =	strace $0x9FFFFFFF  }
0xd7: {  	(tm) =	ssettm $0x7FFFFFFF  }
tec
execute0_lowered:
.L_overlay_start_1:
0x0: {  	(tag) =	ssettag $0x1  }
0x1: {  	s4 =	rddreg [dreg:$0x0]  }
0x2: {  	s6 =	rddreg [dreg:$0x1]  }
0x3: {  	s8 =	rddreg [dreg:$0x2];
	s1 =	srdreg.scid  }
0x4: {  	s2 =	rddreg [dreg:$0x3];
	s0 =	stileid.u32;
	s22 =	sand.u32 $0x1, s1  }
0x5: {  	s14 =	rddreg [dreg:$0x4];
	s5 =	sshll.u32 s0, $0x9;
	s7 =	sshll.u32 s22, $0x8  }
0x6: {  	s3 =	simm.s32 $0x0;
	s1 =	rddreg [dreg:$0x5];
	s15 =	sor.u32 s7, s5  }
0x7: {  	[smem:$0x7FF] =	sst s3;
	s9 =	sshrl.u32 s15, $0x3  }
0x8: {  	_ =	strace $0x8000004A;
	s5 =	sadd.s32 s4, s9;
	s4 =	simm.s32 $0x3  }
0x9: {  	[tilespmem:s3], [sflag:$0x3] =	stream.linear.gather [hbm4b:s5+s3], $0x100, $0x38;
	[tilespmem:$0x8300] =	vst v63  }
0xa: {  	_ =	swait.ge [sflag:s4], $0x100  }
0xb: {  	[sflag:s4] =	ssyncset.done $0x0  }
0xc: {  	s7 =	simm.s32 $0x100;
	s6 =	sadd.s32 s6, s9;
	[sflag:s4] =	ssyncadd.s32 $0xFFFFFF00  }
0xd: {  	[tilespmem:s7], [sflag:$0x3] =	stream.linear.gather [hbm4b:s6+s3], $0x100, $0x38;
	[tilespmem:$0x8300] =	vst v63  }
0xe: {  	_ =	swait.ge [sflag:s4], $0x100  }
0xf: {  	[sflag:s4] =	ssyncset.done $0x0  }
0x10: {  	s8 =	sadd.s32 s8, s9;
	s9 =	simm.s32 $0x200;
	[sflag:s4] =	ssyncadd.s32 $0xFFFFFF00  }
0x11: {  	[tilespmem:s9], [sflag:$0x3] =	stream.linear.gather [hbm4b:s8+s3], $0x100, $0x38;
	[tilespmem:$0x8300] =	vst v63  }
0x12: {  	_ =	swait.ge [sflag:s4], $0x100  }
0x13: {  	[sflag:s4] =	ssyncset.done $0x0  }
0x14: {  	s10 =	simm.s32 $0x80;
	s11 =	simm.s32 $0x300;
	[sflag:s4] =	ssyncadd.s32 $0xFFFFFF00  }
0x15: {  	[tilespmem:s11], [sflag:$0x1] =	stream.indirect.gather [hbm4b:s2+s10], $0x80, s3, s10, $0xb8;
	[tilespmem:$0x8300] =	vst v63  }
0x16: {  	s12 =	simm.s32 $0x4300;
	s13 =	simm.s32 $0x1  }
0x17: {  	[tilespmem:s12], [sflag:$0x2] =	stream.indirect.gather [hbm4b:s2+s10], $0x80, s10, s10, $0xb8;
	[tilespmem:$0x8300] =	vst v63  }
0x18: {  	s15 =	sshll.u32 s15, $0x4;
	_ =	swait.ge [sflag:s13], $0x4000  }
0x19: {  	s23 =	sadd.s32 s15, s14;
	[sflag:s13] =	ssyncset.done $0x0  }
0x1a: {  	s14 =	sadd.s32 $0x60E00, s23;
	[sflag:s13] =	ssyncadd.s32 $0xFFFFC000  }
0x1b: {  	[hbm4b:s14+s3] =	stream.linear.scatter [tilespmem:s11], [sflag:$0x3], $0x4000, $0x38;
	[tilespmem:$0x8300] =	vst v63  }
0x1c: {  	_ =	swait.ge [sflag:s4], $0x4000  }
0x1d: {  	[sflag:s4] =	ssyncset.done $0x0  }
0x1e: {  	s15 =	simm.s32 $0x2;
	[sflag:s4] =	ssyncadd.s32 $0xFFFFC000  }
0x1f: {  	[tilespmem:s11], [sflag:$0x1] =	stream.indirect.gather [hbm4b:s2+s10], $0x80, s7, s10, $0xb8;
	[tilespmem:$0x8300] =	vst v63  }
0x20: {  	_ =	swait.ge [sflag:s15], $0x4000  }
0x21: {  	[sflag:s15] =	ssyncset.done $0x0  }
0x22: {  	s16 =	sadd.s32 $0x61600, s23;
	[sflag:s15] =	ssyncadd.s32 $0xFFFFC000  }
0x23: {  	[hbm4b:s16+s3] =	stream.linear.scatter [tilespmem:s12], [sflag:$0x3], $0x4000, $0x38;
	[tilespmem:$0x8300] =	vst v63  }
0x24: {  	_ =	swait.ge [sflag:s4], $0x4000  }
0x25: {  	[sflag:s4] =	ssyncset.done $0x0  }
0x26: {  	s17 =	simm.s32 $0x180;
	[sflag:s4] =	ssyncadd.s32 $0xFFFFC000  }
0x27: {  	[tilespmem:s12], [sflag:$0x2] =	stream.indirect.gather [hbm4b:s2+s10], $0x80, s17, s10, $0xb8;
	[tilespmem:$0x8300] =	vst v63  }
0x28: {  	_ =	swait.ge [sflag:s13], $0x4000  }
0x29: {  	[sflag:s13] =	ssyncset.done $0x0  }
0x2a: {  	s18 =	sadd.s32 $0x80E00, s23;
	[sflag:s13] =	ssyncadd.s32 $0xFFFFC000  }
0x2b: {  	[hbm4b:s18+s3] =	stream.linear.scatter [tilespmem:s11], [sflag:$0x3], $0x4000, $0x38;
	[tilespmem:$0x8300] =	vst v63  }
0x2c: {  	_ =	swait.ge [sflag:s4], $0x4000  }
0x2d: {  	[sflag:s4] =	ssyncset.done $0x0  }
0x2e: {  	[sflag:s4] =	ssyncadd.s32 $0xFFFFC000  }
0x2f: {  	[tilespmem:s11], [sflag:$0x1] =	stream.indirect.gather [hbm4b:s2+s10], $0x80, s9, s10, $0xb8;
	[tilespmem:$0x8300] =	vst v63  }
0x30: {  	_ =	swait.ge [sflag:s15], $0x4000  }
0x31: {  	[sflag:s15] =	ssyncset.done $0x0  }
0x32: {  	s19 =	sadd.s32 $0x81600, s23;
	[sflag:s15] =	ssyncadd.s32 $0xFFFFC000  }
0x33: {  	[hbm4b:s19+s3] =	stream.linear.scatter [tilespmem:s12], [sflag:$0x3], $0x4000, $0x38;
	[tilespmem:$0x8300] =	vst v63  }
0x34: {  	_ =	swait.ge [sflag:s4], $0x4000  }
0x35: {  	[sflag:s4] =	ssyncset.done $0x0  }
0x36: {  	s20 =	simm.s32 $0x280;
	[sflag:s4] =	ssyncadd.s32 $0xFFFFC000  }
0x37: {  	[tilespmem:s12], [sflag:$0x2] =	stream.indirect.gather [hbm4b:s2+s10], $0x80, s20, s10, $0xb8;
	[tilespmem:$0x8300] =	vst v63  }
0x38: {  	_ =	swait.ge [sflag:s13], $0x4000  }
0x39: {  	[sflag:s13] =	ssyncset.done $0x0  }
0x3a: {  	s22 =	ssub.s32 $0x2, s22;
	s21 =	sadd.s32 $0xA0E00, s23;
	[sflag:s13] =	ssyncadd.s32 $0xFFFFC000  }
0x3b: {  	[hbm4b:s21+s3] =	stream.linear.scatter [tilespmem:s11], [sflag:$0x3], $0x4000, $0x38;
	[tilespmem:$0x8300] =	vst v63  }
0x3c: {  	s24 =	sshrl.u32 s22, $0x1;
	_ =	swait.ge [sflag:s4], $0x4000  }
0x3d: {  	s24 =	ssub.s32 s22, s24;
	[sflag:s4] =	ssyncset.done $0x0  }
0x3e: {  	s31 =	smax.u32 s24, $0x1;
	[sflag:s4] =	ssyncadd.s32 $0xFFFFC000  }
0x3f: {  	p0 =	sne.s32 s31, $0x1;
	_ =	swait.ge [sflag:s15], $0x4000  }
.Ltmp0:
0x40: {  	[sflag:s15] =	ssyncset.done $0x0;
	(pc) =	sbr.rel @!p0 .LBB2_2-.Ltmp0, $4  }
0x41: {  	s22 =	sadd.s32 $0xA1600, s23;
	[sflag:s15] =	ssyncadd.s32 $0xFFFFC000  }
0x42: {  	[hbm4b:s22+s3] =	stream.linear.scatter [tilespmem:s12], [sflag:$0x3], $0x4000, $0x38;
	[tilespmem:$0x8300] =	vst v63  }
0x43: {  	_ =	swait.ge [sflag:s4], $0x4000  }
0x44: {  	s23 =	sadd.s32 $0xFFFFFFFF, s31;
	[sflag:s4] =	ssyncset.done $0x0  }
.LBB2_1:
0x45: {  	p0 =	sne.s32 s23, $0x1;
	s23 =	sadd.s32 $0xFFFFFFFF, s23;
	[sflag:s4] =	ssyncadd.s32 $0xFFFFC000  }
0x46: {  	[tilespmem:s3], [sflag:$0x3] =	stream.linear.gather [hbm4b:s5+s3], $0x100, $0x38;
	[tilespmem:$0x8300] =	vst v63  }
0x47: {  	_ =	swait.ge [sflag:s4], $0x100  }
0x48: {  	[sflag:s4] =	ssyncset.done $0x0  }
0x49: {  	[sflag:s4] =	ssyncadd.s32 $0xFFFFFF00  }
0x4a: {  	[tilespmem:s7], [sflag:$0x3] =	stream.linear.gather [hbm4b:s6+s3], $0x100, $0x38;
	[tilespmem:$0x8300] =	vst v63  }
0x4b: {  	_ =	swait.ge [sflag:s4], $0x100  }
0x4c: {  	[sflag:s4] =	ssyncset.done $0x0  }
0x4d: {  	[sflag:s4] =	ssyncadd.s32 $0xFFFFFF00  }
0x4e: {  	[tilespmem:s9], [sflag:$0x3] =	stream.linear.gather [hbm4b:s8+s3], $0x100, $0x38;
	[tilespmem:$0x8300] =	vst v63  }
0x4f: {  	_ =	swait.ge [sflag:s4], $0x100  }
0x50: {  	[sflag:s4] =	ssyncset.done $0x0  }
0x51: {  	[sflag:s4] =	ssyncadd.s32 $0xFFFFFF00  }
0x52: {  	[tilespmem:s11], [sflag:$0x1] =	stream.indirect.gather [hbm4b:s2+s10], $0x80, s3, s10, $0xb8;
	[tilespmem:$0x8300] =	vst v63  }
0x53: {  	_ = 	snop  }
0x54: {  	[tilespmem:s12], [sflag:$0x2] =	stream.indirect.gather [hbm4b:s2+s10], $0x80, s10, s10, $0xb8;
	[tilespmem:$0x8300] =	vst v63  }
0x55: {  	_ =	swait.ge [sflag:s13], $0x4000  }
0x56: {  	[sflag:s13] =	ssyncset.done $0x0  }
0x57: {  	[sflag:s13] =	ssyncadd.s32 $0xFFFFC000  }
0x58: {  	[hbm4b:s14+s3] =	stream.linear.scatter [tilespmem:s11], [sflag:$0x3], $0x4000, $0x38;
	[tilespmem:$0x8300] =	vst v63  }
0x59: {  	_ =	swait.ge [sflag:s4], $0x4000  }
0x5a: {  	[sflag:s4] =	ssyncset.done $0x0  }
0x5b: {  	[sflag:s4] =	ssyncadd.s32 $0xFFFFC000  }
0x5c: {  	[tilespmem:s11], [sflag:$0x1] =	stream.indirect.gather [hbm4b:s2+s10], $0x80, s7, s10, $0xb8;
	[tilespmem:$0x8300] =	vst v63  }
0x5d: {  	_ =	swait.ge [sflag:s15], $0x4000  }
0x5e: {  	[sflag:s15] =	ssyncset.done $0x0  }
0x5f: {  	[sflag:s15] =	ssyncadd.s32 $0xFFFFC000  }
0x60: {  	[hbm4b:s16+s3] =	stream.linear.scatter [tilespmem:s12], [sflag:$0x3], $0x4000, $0x38;
	[tilespmem:$0x8300] =	vst v63  }
0x61: {  	_ =	swait.ge [sflag:s4], $0x4000  }
0x62: {  	[sflag:s4] =	ssyncset.done $0x0  }
0x63: {  	[sflag:s4] =	ssyncadd.s32 $0xFFFFC000  }
0x64: {  	[tilespmem:s12], [sflag:$0x2] =	stream.indirect.gather [hbm4b:s2+s10], $0x80, s17, s10, $0xb8;
	[tilespmem:$0x8300] =	vst v63  }
0x65: {  	_ =	swait.ge [sflag:s13], $0x4000  }
0x66: {  	[sflag:s13] =	ssyncset.done $0x0  }
0x67: {  	[sflag:s13] =	ssyncadd.s32 $0xFFFFC000  }
0x68: {  	[hbm4b:s18+s3] =	stream.linear.scatter [tilespmem:s11], [sflag:$0x3], $0x4000, $0x38;
	[tilespmem:$0x8300] =	vst v63  }
0x69: {  	_ =	swait.ge [sflag:s4], $0x4000  }
0x6a: {  	[sflag:s4] =	ssyncset.done $0x0  }
0x6b: {  	[sflag:s4] =	ssyncadd.s32 $0xFFFFC000  }
0x6c: {  	[tilespmem:s11], [sflag:$0x1] =	stream.indirect.gather [hbm4b:s2+s10], $0x80, s9, s10, $0xb8;
	[tilespmem:$0x8300] =	vst v63  }
0x6d: {  	_ =	swait.ge [sflag:s15], $0x4000  }
0x6e: {  	[sflag:s15] =	ssyncset.done $0x0  }
0x6f: {  	[sflag:s15] =	ssyncadd.s32 $0xFFFFC000  }
0x70: {  	[hbm4b:s19+s3] =	stream.linear.scatter [tilespmem:s12], [sflag:$0x3], $0x4000, $0x38;
	[tilespmem:$0x8300] =	vst v63  }
0x71: {  	_ =	swait.ge [sflag:s4], $0x4000  }
0x72: {  	[sflag:s4] =	ssyncset.done $0x0  }
0x73: {  	[sflag:s4] =	ssyncadd.s32 $0xFFFFC000  }
0x74: {  	[tilespmem:s12], [sflag:$0x2] =	stream.indirect.gather [hbm4b:s2+s10], $0x80, s20, s10, $0xb8;
	[tilespmem:$0x8300] =	vst v63  }
0x75: {  	_ =	swait.ge [sflag:s13], $0x4000  }
0x76: {  	[sflag:s13] =	ssyncset.done $0x0  }
0x77: {  	[sflag:s13] =	ssyncadd.s32 $0xFFFFC000  }
0x78: {  	[hbm4b:s21+s3] =	stream.linear.scatter [tilespmem:s11], [sflag:$0x3], $0x4000, $0x38;
	[tilespmem:$0x8300] =	vst v63  }
0x79: {  	_ =	swait.ge [sflag:s4], $0x4000  }
0x7a: {  	[sflag:s4] =	ssyncset.done $0x0  }
0x7b: {  	[sflag:s4] =	ssyncadd.s32 $0xFFFFC000  }
0x7c: {  	_ =	swait.ge [sflag:s15], $0x4000  }
.Ltmp1:
0x7d: {  	[sflag:s15] =	ssyncset.done $0x0;
	(pc) =	sbr.rel @p0 .LBB2_1-.Ltmp1, $4  }
0x7e: {  	[sflag:s15] =	ssyncadd.s32 $0xFFFFC000  }
0x7f: {  	[hbm4b:s22+s3] =	stream.linear.scatter [tilespmem:s12], [sflag:$0x3], $0x4000, $0x38;
	[tilespmem:$0x8300] =	vst v63  }
0x80: {  	_ =	swait.ge [sflag:s4], $0x4000  }
0x81: {  	[sflag:s4] =	ssyncset.done $0x0  }
.LBB2_2:
0x82: {  	[sflag:s4] =	ssyncadd.s32 $0xFFFFC000  }
0x83: {  	_ =	sfence.sel $0x180000  }
0x84: {  	[bflag:$0x0] =	sbarrier.arrive $0xFFFF  }
0x85: {  	p0 =	sne.s32 s0, $0x0;
	_ =	strace $0x9000004A  }
0x86: {  	s0 =	sadd.s32 @!p0 $0x100000, s1;
	[bflag:$0x2] =	sbarrier.arrive $0xFFFF  }
0x87: {  	[sflag:s0] =	ssyncadd.tile.s32 @!p0 $0x1;
	_ =	shalt  }
.Lfunc_end2:
_tile_overlayer_lowered:
.L_overlay_start_2:
0x88: {  	(tag) =	ssettag $0x2  }
0x89: {  	s0 =	rddreg [dreg:$0x0];
	s2 =	stileid.u32  }
0x8a: {  	s1 =	rddreg [dreg:$0x1];
	p0 =	sne.s32 s2, $0x0  }
0x8b: {  	s3 =	rddreg [dreg:$0x2];
	[bflag:$0x3] =	sbarrier.arrive $0xFFFF;
	s2 =	simm.s32 @!p0 $0x1C03  }
0x8c: {  	[timem:s3], [sflag:s2] =	dma.local @!p0 [hbm:s0], s1  }
0x8d: {  	s0 =	simm.s32 @!p0 $0x3  }
0x8e: {  	_ =	swait.ge @!p0 [sflag:s0], s1  }
0x8f: {  	s1 =	ssub.s32 @!p0 $0x0, s1;
	[sflag:s0] =	ssyncset.done @!p0 $0x0  }
0x90: {  	[sflag:s0] =	ssyncadd.s32 @!p0 s1  }
0x91: {  	[bflag:$0x3] =	sbarrier.arrive $0xFFFF  }
0x92: {  	_ =	shalt  }

// kernel: kernel.9.cloned.1.call-start
scs
__scs_entry_jumppad:
0x0: {  	(pc) =	sbr.rel $0x88, $3  }
0x1: {  	(tag) =	ssettag $0x0;
	lr =	simm.s32 $0x1  }
0x2: {  	[smem:$0x3F9A] =	sst lr;
	_ =	strace $0xD0000000  }
0x3: {  	_ = 	snop  }
0x4: {  	_ = 	snop  }
0x5: {  	_ = 	snop  }
0x6: {  	_ = 	snop  }
0x7: {  	_ = 	snop  }
__scs_overlays_trampoline_lowered:
0x8: {  	[smem:$0x3FA9] =	sst s0  }
0x9: {  	[smem:$0x3FAA] =	sst s1  }
0xa: {  	[smem:$0x3FAB] =	sst s2  }
0xb: {  	[smem:$0x3FAC] =	sst s3  }
0xc: {  	[smem:$0x3FAD] =	sst s4  }
0xd: {  	[smem:$0x3FAE] =	sst s5  }
0xe: {  	[smem:$0x3FAF] =	sst s6  }
0xf: {  	[smem:$0x3FB0] =	sst s7  }
0x10: {  	[smem:$0x3FB1] =	sst s8  }
0x11: {  	[smem:$0x3FB2] =	sst s9;
	s0 =	simm.s32 @!p0 $0x0  }
0x12: {  	s1 =	sld [smem:$0x3F98];
	s0 =	simm.s32 @p0 $0x1  }
0x13: {  	[smem:$0x3FB3] =	sst s0;
	s0 =	simm.s32 @!p1 $0x0  }
0x14: {  	s2 =	sld [smem:$0x3F97];
	s0 =	simm.s32 @p1 $0x1  }
0x15: {  	[smem:$0x3FB4] =	sst s0;
	s0 =	simm.s32 @!p2 $0x0  }
0x16: {  	s3 =	sld [smem:$0x3FDB];
	s0 =	simm.s32 @p2 $0x1  }
0x17: {  	s4 =	simm.s32 $0x1BF5;
	[smem:$0x3FB6] =	sst s0  }
0x18: {  	s0 =	sld [smem:$0x3F99];
	_ =	swait.ge [sflag:s4], $0x0  }
0x19: {  	s7 =	sld [smem:$0x3F9A]  }
0x1a: {  	s8 =	sadd.s32 $0xFFFFE003, lr  }
0x1b: {  	s9 =	sadd.s32 $0xFFFFFEF7, lr;
	s5 =	simm.s32 $0xFFFFFFFF;
	p2 =	slt.u32 s8, $0xFFFFF086  }
0x1c: {  	p1 =	slt.u32 s9, $0xF7A;
	s5 =	simm.s32 @!p2 $0x0  }
0x1d: {  	s5 =	simm.s32 @p1 $0x1;
	p0 =	seq.s32 s7, s2  }
0x1e: {  	s7 =	smul.u32 @!p0 $0xF7A, s2;
	p2 =	seq.s32 @!p0 s5, $0x0  }
0x1f: {  	s9 =	smul.u32 $0xF7A, s1;
	s8 =	simm.s32 @!p0 $0x1BF5;
	p2 =	por !p2, p0  }
0x20: {  	[sflag:s8] =	ssyncset.s32 @!p0 $0xFFFFF086;
	s6 =	sadd.s32 @!p0 s3, s7;
	s7 =	simm.s32 @!p0 $0x108  }
0x21: {  	s3 =	sadd.s32 s3, s9;
	s6 =	sadd.s32 @!p0 $0x88, s6;
	s7 =	simm.s32 @p2 $0x1082  }
0x22: {  	[simem:s7], [sflag:s8] =	dma.local @!p0 [hbm:s6], $0xF7A  }
0x23: {  	s9 =	sor.u32 $0xD0000000, s2;
	s6 =	simm.s32 $0x108;
	_ =	swait.ge @!p0 [sflag:s8], $0x0  }
0x24: {  	s3 =	sadd.s32 $0x88, s3;
	s6 =	simm.s32 @!p1 $0x1082;
	[sflag:s4] =	ssyncset.s32 $0xFFFFF086  }
0x25: {  	[simem:s6], [sflag:s4] =	dma.local [hbm:s3], $0xF7A  }
0x26: {  	[smem:$0x3F9A] =	sst s1;
	(tag) =	ssettag s2;
	_ =	strace s9  }
0x27: {  	s1 =	sld [smem:$0x3FAA]  }
0x28: {  	s2 =	sld [smem:$0x3FAB]  }
0x29: {  	s4 =	sld [smem:$0x3FAD]  }
0x2a: {  	p0 =	seq.s32 s5, $0x0;
	s5 =	sld [smem:$0x3FAE]  }
0x2b: {  	s6 =	sld [smem:$0x3FAF]  }
0x2c: {  	s7 =	sld [smem:$0x3FB0]  }
0x2d: {  	s3 =	simm.s32 $0x108;
	s8 =	sld [smem:$0x3FB1]  }
0x2e: {  	s3 =	simm.s32 @!p0 $0x1082;
	s9 =	sld [smem:$0x3FB2]  }
0x2f: {  	lr =	sadd.s32 s0, s3;
	s0 =	sld [smem:$0x3FA9]  }
0x30: {  	s3 =	sld [smem:$0x3FAC]  }
0x31: {  	[smem:$0x3FB5] =	sst s10  }
0x32: {  	s10 =	sld [smem:$0x3FB3];
	_ =	sdelay $0x3  }
0x33: {  	p0 =	seq.s32 s10, $0x1;
	s10 =	sld [smem:$0x3FB5];
	_ =	sdelay $0x3  }
0x34: {  	[smem:$0x3FB5] =	sst s10  }
0x35: {  	s10 =	sld [smem:$0x3FB4];
	_ =	sdelay $0x3  }
0x36: {  	p1 =	seq.s32 s10, $0x1;
	s10 =	sld [smem:$0x3FB5];
	_ =	sdelay $0x3  }
0x37: {  	[smem:$0x3FB5] =	sst s10  }
0x38: {  	s10 =	sld [smem:$0x3FB6]  }
0x39: {  	_ = 	snop;
	(pc) =	sbr.ind lr, $3  }
0x3a: {  	_ = 	snop  }
0x3b: {  	_ = 	snop  }
0x3c: {  	p2 =	seq.s32 s10, $0x1;
	s10 =	sld [smem:$0x3FB5]  }
0x3d: {  	_ =	shalt  }
0x3e: {  	_ =	shalt  }
0x3f: {  	_ =	shalt  }
0x40: {  	_ =	shalt  }
0x41: {  	_ =	shalt  }
0x42: {  	_ =	shalt  }
0x43: {  	_ =	shalt  }
0x44: {  	_ =	shalt  }
0x45: {  	_ =	shalt  }
0x46: {  	_ =	shalt  }
0x47: {  	_ =	shalt  }
0x48: {  	_ =	shalt  }
0x49: {  	_ =	shalt  }
0x4a: {  	_ =	shalt  }
0x4b: {  	_ =	shalt  }
0x4c: {  	_ =	shalt  }
0x4d: {  	_ =	shalt  }
0x4e: {  	_ =	shalt  }
0x4f: {  	_ =	shalt  }
0x50: {  	_ =	shalt  }
0x51: {  	_ =	shalt  }
0x52: {  	_ =	shalt  }
0x53: {  	_ =	shalt  }
0x54: {  	_ =	shalt  }
0x55: {  	_ =	shalt  }
0x56: {  	_ =	shalt  }
0x57: {  	_ =	shalt  }
0x58: {  	_ =	shalt  }
0x59: {  	_ =	shalt  }
0x5a: {  	_ =	shalt  }
0x5b: {  	_ =	shalt  }
0x5c: {  	_ =	shalt  }
0x5d: {  	_ =	shalt  }
0x5e: {  	_ =	shalt  }
0x5f: {  	_ =	shalt  }
0x60: {  	_ =	shalt  }
0x61: {  	_ =	shalt  }
0x62: {  	_ =	shalt  }
0x63: {  	_ =	shalt  }
0x64: {  	_ =	shalt  }
0x65: {  	_ =	shalt  }
0x66: {  	_ =	shalt  }
0x67: {  	_ =	shalt  }
0x68: {  	_ =	shalt  }
0x69: {  	_ =	shalt  }
0x6a: {  	_ =	shalt  }
0x6b: {  	_ =	shalt  }
0x6c: {  	_ =	shalt  }
0x6d: {  	_ =	shalt  }
0x6e: {  	_ =	shalt  }
0x6f: {  	_ =	shalt  }
0x70: {  	_ =	shalt  }
0x71: {  	_ =	shalt  }
0x72: {  	_ =	shalt  }
0x73: {  	_ =	shalt  }
0x74: {  	_ =	shalt  }
0x75: {  	_ =	shalt  }
0x76: {  	_ =	shalt  }
0x77: {  	_ =	shalt  }
0x78: {  	_ =	shalt  }
0x79: {  	_ =	shalt  }
0x7a: {  	_ =	shalt  }
0x7b: {  	_ =	shalt  }
0x7c: {  	_ =	shalt  }
0x7d: {  	_ =	shalt  }
0x7e: {  	_ =	shalt  }
0x7f: {  	_ =	shalt  }
0x80: {  	_ =	shalt  }
0x81: {  	_ =	shalt  }
0x82: {  	_ =	shalt  }
0x83: {  	_ =	shalt  }
0x84: {  	_ =	shalt  }
0x85: {  	_ =	shalt  }
0x86: {  	_ =	shalt  }
0x87: {  	_ =	shalt  }
.Lfunc_end0:
.L_simem_size_0:
called_computation.1_lowered:
.L_overlay_start_0:
0x88: {  	s2 =	sld [smem:$0x3FD9]  }
0x89: {  	s3 =	sld [smem:$0x3FFE];
	_ =	sdelay $0x1  }
0x8a: {  	s1 =	srdreg.scid  }
0x8b: {  	s0 =	sand.u32 $0x1, s1  }
0x8c: {  	s17 =	sshll.u32 s0, $0xA;
	s2 =	sadd.s32 s3, s2  }
0x8d: {  	s2 =	sadd.s32 s2, s17  }
0x8e: {  	[smem:$0x3FC1] =	sst s2  }
0x8f: {  	_ = 	snop  }
0x90: {  	s2 =	sld [smem:$0x3FC9]  }
0x91: {  	s18 =	sld [smem:$0x3FC6]  }
0x92: {  	s4 =	sld [smem:$0x3FC4]  }
0x93: {  	s5 =	sld [smem:$0x3FC3];
	(tm) =	ssettm $0x1  }
0x94: {  	s6 =	sld [smem:$0x3FFB];
	_ =	sdelay $0x3  }
0x95: {  	_ =	strace s6  }
0x96: {  	s6 =	sld [smem:$0x3FFC];
	_ =	sdelay $0x3  }
0x97: {  	_ =	strace s6  }
0x98: {  	s6 =	sld [smem:$0x3FFD];
	_ =	sdelay $0x3  }
0x99: {  	_ =	strace s6  }
0x9a: {  	_ =	strace $0x8FFFFFFF  }
0x9b: {  	s19 =	sld [smem:$0x3FDB];
	_ =	sdelay $0x1  }
0x9c: {  	s7 =	simm.s32 $_scs_section_size  }
0x9d: {  	s8 =	simm.s32 $_size__tile_overlayer_lowered;
	s9 =	simm.s32 $_tile_overlayer_lowered  }
0x9e: {  	s22 =	simm.s32 $0x1BFF;
	s21 =	sshll.u32 s9, $0x1;
	s6 =	sadd.s32 s7, s19  }
0x9f: {  	s10 =	simm.s32 $0x0;
	s20 =	sshll.u32 s8, $0x1;
	s8 =	sadd.s32 s21, s6  }
0xa0: {  	[timem:s10], [sflag:s22] =	dma.local [hbm:s8], s20  }
0xa1: {  	_ =	swait.ge [sflag:s22], s20  }
0xa2: {  	s7 =	ssub.s32 $0x0, s20;
	[sflag:s22] =	ssyncset.done $0x0  }
0xa3: {  	[sflag:s22] =	ssyncadd.s32 s7;
	_ =	sdelay $0x1  }
0xa4: {  	s23 =	simm.s32 $0x1B8B  }
0xa5: {  	_ =	swait.ge [sflag:s23], $0x1  }
0xa6: {  	[sflag:s23] =	ssyncset.done $0x0  }
0xa7: {  	s25 =	simm.s32 $0x1B8E;
	s24 =	sld [smem:$0x3FFE];
	[sflag:s23] =	ssyncadd.s32 $0xFFFFFFFF  }
0xa8: {  	s26 =	simm.s32 $execute0_lowered;
	[smem:$0x3FD2] =	sst s25  }
0xa9: {  	s8 =	sshll.u32 s26, $0x1;
	_ =	strace $0x80000046;
	[dreg:$0x1] =	wrdreg $0xFFFFFFFF  }
0xaa: {  	s28 =	simm.s32 $_size_execute0_lowered;
	s6 =	sadd.s32 s6, s8;
	[dreg:$0x0] =	wrdreg $0x0  }
0xab: {  	s8 =	sshll.u32 s28, $0x1;
	[dreg:$0x2] =	wrdreg s6  }
0xac: {  	[dreg:$0x3] =	wrdreg s8  }
0xad: {  	[dreg:$0x4] =	wrdreg $0xC0  }
0xae: {  	_ =	task [dreg:s10], $0x5FFFF  }
0xaf: {  	[dreg:$0x1] =	wrdreg $0xFFFFFFFF  }
0xb0: {  	[dreg:$0x0] =	wrdreg $0x60  }
0xb1: {  	[dreg:$0x2] =	wrdreg s18  }
0xb2: {  	[dreg:$0x3] =	wrdreg s4  }
0xb3: {  	[dreg:$0x4] =	wrdreg s5  }
0xb4: {  	[dreg:$0x5] =	wrdreg s2  }
0xb5: {  	[dreg:$0x6] =	wrdreg s24  }
0xb6: {  	[dreg:$0x7] =	wrdreg $0xA  }
0xb7: {  	_ =	task.clear_ibuf [dreg:s10], $0x8FFFF;
	_ =	strace $0x90000046  }
0xb8: {  	s29 =	simm.s32 $0xA;
	_ =	strace $0x80000048  }
0xb9: {  	_ =	swait.ge [sflag:s29], $0x1  }
0xba: {  	[sflag:s29] =	ssyncadd.s32 $0xFFFFFFFF  }
0xbb: {  	_ =	strace $0x90000048  }
0xbc: {  	_ =	sfence  }
0xbd: {  	s30 =	sld [smem:$0x0];
	_ =	sdelay $0x2  }
0xbe: {  	s31 =	sshll.u32 s1, $0xD;
	s1 =	sshrl.u32 s1, $0x2  }
0xbf: {  	s3 =	sand.u32 $0x4000, s31;
	s1 =	sadd.s32 s1, s30  }
0xc0: {  	s0 =	sor.u32 s3, s0;
	s1 =	sshll.u32 s1, $0x11  }
0xc1: {  	s0 =	sor.u32 s1, s0  }
0xc2: {  	s0 =	sadd.s32 $0x8F2B, s0  }
0xc3: {  	[sflag:s0] =	ssyncadd.remote.s32 $0x1  }
0xc4: {  	_ =	sfence.sel $0xFFFF  }
0xc5: {  	[dreg:$0x0] =	wrdreg $0xFFFFFFFF;
	(pc) =	sbr.abs _section_cstart, $3  }
0xc6: {  	[dreg:$0x1] =	wrdreg $0xFFFFFFFF  }
0xc7: {  	_ =	task.clear_ibuf [dreg:s10], $0x2FFFF;
	_ =	strace $0x9FFFFFFF  }
0xc8: {  	(tm) =	ssettm $0x7FFFFFFF  }
0xc9: {  	_ =	shalt  }
tec
execute0_lowered:
.L_overlay_start_1:
0x0: {  	(tag) =	ssettag $0x1  }
0x1: {  	s4 =	rddreg [dreg:$0x0]  }
0x2: {  	s6 =	rddreg [dreg:$0x1];
	s1 =	srdreg.scid  }
0x3: {  	s8 =	rddreg [dreg:$0x2];
	s0 =	stileid.u32;
	s22 =	sand.u32 $0x1, s1  }
0x4: {  	s2 =	rddreg [dreg:$0x3];
	s30 =	sshll.u32 s0, $0x9;
	s3 =	sshll.u32 s22, $0x8  }
0x5: {  	s14 =	rddreg [dreg:$0x4];
	s15 =	sor.u32 s3, s30  }
0x6: {  	s1 =	rddreg [dreg:$0x5];
	s3 =	simm.s32 $0x0;
	s5 =	sshrl.u32 s15, $0x3  }
0x7: {  	[smem:$0x7FF] =	sst s3;
	s9 =	sor.u32 $0x400, s5  }
0x8: {  	_ =	strace $0x80000047;
	s5 =	sadd.s32 s4, s9;
	s4 =	simm.s32 $0x3  }
0x9: {  	[tilespmem:s3], [sflag:$0x3] =	stream.linear.gather [hbm4b:s5+s3], $0x100, $0x38;
	[tilespmem:$0x8300] =	vst v63  }
0xa: {  	_ =	swait.ge [sflag:s4], $0x100  }
0xb: {  	[sflag:s4] =	ssyncset.done $0x0  }
0xc: {  	s7 =	simm.s32 $0x100;
	s6 =	sadd.s32 s6, s9;
	[sflag:s4] =	ssyncadd.s32 $0xFFFFFF00  }
0xd: {  	[tilespmem:s7], [sflag:$0x3] =	stream.linear.gather [hbm4b:s6+s3], $0x100, $0x38;
	[tilespmem:$0x8300] =	vst v63  }
0xe: {  	_ =	swait.ge [sflag:s4], $0x100  }
0xf: {  	[sflag:s4] =	ssyncset.done $0x0  }
0x10: {  	s8 =	sadd.s32 s8, s9;
	s9 =	simm.s32 $0x200;
	[sflag:s4] =	ssyncadd.s32 $0xFFFFFF00  }
0x11: {  	[tilespmem:s9], [sflag:$0x3] =	stream.linear.gather [hbm4b:s8+s3], $0x100, $0x38;
	[tilespmem:$0x8300] =	vst v63  }
0x12: {  	_ =	swait.ge [sflag:s4], $0x100  }
0x13: {  	[sflag:s4] =	ssyncset.done $0x0  }
0x14: {  	s10 =	simm.s32 $0x80;
	s11 =	simm.s32 $0x300;
	[sflag:s4] =	ssyncadd.s32 $0xFFFFFF00  }
0x15: {  	[tilespmem:s11], [sflag:$0x1] =	stream.indirect.gather [hbm4b:s2+s10], $0x80, s3, s10, $0xb8;
	[tilespmem:$0x8300] =	vst v63  }
0x16: {  	s12 =	simm.s32 $0x4300;
	s13 =	simm.s32 $0x1  }
0x17: {  	[tilespmem:s12], [sflag:$0x2] =	stream.indirect.gather [hbm4b:s2+s10], $0x80, s10, s10, $0xb8;
	[tilespmem:$0x8300] =	vst v63  }
0x18: {  	s15 =	sshll.u32 s15, $0x4;
	_ =	swait.ge [sflag:s13], $0x4000  }
0x19: {  	s23 =	sadd.s32 s15, s14;
	[sflag:s13] =	ssyncset.done $0x0  }
0x1a: {  	s14 =	sadd.s32 $0xE00, s23;
	[sflag:s13] =	ssyncadd.s32 $0xFFFFC000  }
0x1b: {  	[hbm4b:s14+s3] =	stream.linear.scatter [tilespmem:s11], [sflag:$0x3], $0x4000, $0x38;
	[tilespmem:$0x8300] =	vst v63  }
0x1c: {  	_ =	swait.ge [sflag:s4], $0x4000  }
0x1d: {  	[sflag:s4] =	ssyncset.done $0x0  }
0x1e: {  	s15 =	simm.s32 $0x2;
	[sflag:s4] =	ssyncadd.s32 $0xFFFFC000  }
0x1f: {  	[tilespmem:s11], [sflag:$0x1] =	stream.indirect.gather [hbm4b:s2+s10], $0x80, s7, s10, $0xb8;
	[tilespmem:$0x8300] =	vst v63  }
0x20: {  	_ =	swait.ge [sflag:s15], $0x4000  }
0x21: {  	[sflag:s15] =	ssyncset.done $0x0  }
0x22: {  	s16 =	sadd.s32 $0x1600, s23;
	[sflag:s15] =	ssyncadd.s32 $0xFFFFC000  }
0x23: {  	[hbm4b:s16+s3] =	stream.linear.scatter [tilespmem:s12], [sflag:$0x3], $0x4000, $0x38;
	[tilespmem:$0x8300] =	vst v63  }
0x24: {  	_ =	swait.ge [sflag:s4], $0x4000  }
0x25: {  	[sflag:s4] =	ssyncset.done $0x0  }
0x26: {  	s17 =	simm.s32 $0x180;
	[sflag:s4] =	ssyncadd.s32 $0xFFFFC000  }
0x27: {  	[tilespmem:s12], [sflag:$0x2] =	stream.indirect.gather [hbm4b:s2+s10], $0x80, s17, s10, $0xb8;
	[tilespmem:$0x8300] =	vst v63  }
0x28: {  	_ =	swait.ge [sflag:s13], $0x4000  }
0x29: {  	[sflag:s13] =	ssyncset.done $0x0  }
0x2a: {  	s18 =	sadd.s32 $0x20E00, s23;
	[sflag:s13] =	ssyncadd.s32 $0xFFFFC000  }
0x2b: {  	[hbm4b:s18+s3] =	stream.linear.scatter [tilespmem:s11], [sflag:$0x3], $0x4000, $0x38;
	[tilespmem:$0x8300] =	vst v63  }
0x2c: {  	_ =	swait.ge [sflag:s4], $0x4000  }
0x2d: {  	[sflag:s4] =	ssyncset.done $0x0  }
0x2e: {  	[sflag:s4] =	ssyncadd.s32 $0xFFFFC000  }
0x2f: {  	[tilespmem:s11], [sflag:$0x1] =	stream.indirect.gather [hbm4b:s2+s10], $0x80, s9, s10, $0xb8;
	[tilespmem:$0x8300] =	vst v63  }
0x30: {  	_ =	swait.ge [sflag:s15], $0x4000  }
0x31: {  	[sflag:s15] =	ssyncset.done $0x0  }
0x32: {  	s19 =	sadd.s32 $0x21600, s23;
	[sflag:s15] =	ssyncadd.s32 $0xFFFFC000  }
0x33: {  	[hbm4b:s19+s3] =	stream.linear.scatter [tilespmem:s12], [sflag:$0x3], $0x4000, $0x38;
	[tilespmem:$0x8300] =	vst v63  }
0x34: {  	_ =	swait.ge [sflag:s4], $0x4000  }
0x35: {  	[sflag:s4] =	ssyncset.done $0x0  }
0x36: {  	s20 =	simm.s32 $0x280;
	[sflag:s4] =	ssyncadd.s32 $0xFFFFC000  }
0x37: {  	[tilespmem:s12], [sflag:$0x2] =	stream.indirect.gather [hbm4b:s2+s10], $0x80, s20, s10, $0xb8;
	[tilespmem:$0x8300] =	vst v63  }
0x38: {  	_ =	swait.ge [sflag:s13], $0x4000  }
0x39: {  	[sflag:s13] =	ssyncset.done $0x0  }
0x3a: {  	s22 =	ssub.s32 $0x2, s22;
	s21 =	sadd.s32 $0x40E00, s23;
	[sflag:s13] =	ssyncadd.s32 $0xFFFFC000  }
0x3b: {  	[hbm4b:s21+s3] =	stream.linear.scatter [tilespmem:s11], [sflag:$0x3], $0x4000, $0x38;
	[tilespmem:$0x8300] =	vst v63  }
0x3c: {  	s24 =	sshrl.u32 s22, $0x1;
	_ =	swait.ge [sflag:s4], $0x4000  }
0x3d: {  	s24 =	ssub.s32 s22, s24;
	[sflag:s4] =	ssyncset.done $0x0  }
0x3e: {  	s31 =	smax.u32 s24, $0x1;
	[sflag:s4] =	ssyncadd.s32 $0xFFFFC000  }
0x3f: {  	p0 =	sne.s32 s31, $0x1;
	_ =	swait.ge [sflag:s15], $0x4000  }
.Ltmp0:
0x40: {  	[sflag:s15] =	ssyncset.done $0x0;
	(pc) =	sbr.rel @!p0 .LBB2_2-.Ltmp0, $4  }
0x41: {  	s22 =	sadd.s32 $0x41600, s23;
	[sflag:s15] =	ssyncadd.s32 $0xFFFFC000  }
0x42: {  	[hbm4b:s22+s3] =	stream.linear.scatter [tilespmem:s12], [sflag:$0x3], $0x4000, $0x38;
	[tilespmem:$0x8300] =	vst v63  }
0x43: {  	_ =	swait.ge [sflag:s4], $0x4000  }
0x44: {  	s23 =	sadd.s32 $0xFFFFFFFF, s31;
	[sflag:s4] =	ssyncset.done $0x0  }
.LBB2_1:
0x45: {  	p0 =	sne.s32 s23, $0x1;
	s23 =	sadd.s32 $0xFFFFFFFF, s23;
	[sflag:s4] =	ssyncadd.s32 $0xFFFFC000  }
0x46: {  	[tilespmem:s3], [sflag:$0x3] =	stream.linear.gather [hbm4b:s5+s3], $0x100, $0x38;
	[tilespmem:$0x8300] =	vst v63  }
0x47: {  	_ =	swait.ge [sflag:s4], $0x100  }
0x48: {  	[sflag:s4] =	ssyncset.done $0x0  }
0x49: {  	[sflag:s4] =	ssyncadd.s32 $0xFFFFFF00  }
0x4a: {  	[tilespmem:s7], [sflag:$0x3] =	stream.linear.gather [hbm4b:s6+s3], $0x100, $0x38;
	[tilespmem:$0x8300] =	vst v63  }
0x4b: {  	_ =	swait.ge [sflag:s4], $0x100  }
0x4c: {  	[sflag:s4] =	ssyncset.done $0x0  }
0x4d: {  	[sflag:s4] =	ssyncadd.s32 $0xFFFFFF00  }
0x4e: {  	[tilespmem:s9], [sflag:$0x3] =	stream.linear.gather [hbm4b:s8+s3], $0x100, $0x38;
	[tilespmem:$0x8300] =	vst v63  }
0x4f: {  	_ =	swait.ge [sflag:s4], $0x100  }
0x50: {  	[sflag:s4] =	ssyncset.done $0x0  }
0x51: {  	[sflag:s4] =	ssyncadd.s32 $0xFFFFFF00  }
0x52: {  	[tilespmem:s11], [sflag:$0x1] =	stream.indirect.gather [hbm4b:s2+s10], $0x80, s3, s10, $0xb8;
	[tilespmem:$0x8300] =	vst v63  }
0x53: {  	_ = 	snop  }
0x54: {  	[tilespmem:s12], [sflag:$0x2] =	stream.indirect.gather [hbm4b:s2+s10], $0x80, s10, s10, $0xb8;
	[tilespmem:$0x8300] =	vst v63  }
0x55: {  	_ =	swait.ge [sflag:s13], $0x4000  }
0x56: {  	[sflag:s13] =	ssyncset.done $0x0  }
0x57: {  	[sflag:s13] =	ssyncadd.s32 $0xFFFFC000  }
0x58: {  	[hbm4b:s14+s3] =	stream.linear.scatter [tilespmem:s11], [sflag:$0x3], $0x4000, $0x38;
	[tilespmem:$0x8300] =	vst v63  }
0x59: {  	_ =	swait.ge [sflag:s4], $0x4000  }
0x5a: {  	[sflag:s4] =	ssyncset.done $0x0  }
0x5b: {  	[sflag:s4] =	ssyncadd.s32 $0xFFFFC000  }
0x5c: {  	[tilespmem:s11], [sflag:$0x1] =	stream.indirect.gather [hbm4b:s2+s10], $0x80, s7, s10, $0xb8;
	[tilespmem:$0x8300] =	vst v63  }
0x5d: {  	_ =	swait.ge [sflag:s15], $0x4000  }
0x5e: {  	[sflag:s15] =	ssyncset.done $0x0  }
0x5f: {  	[sflag:s15] =	ssyncadd.s32 $0xFFFFC000  }
0x60: {  	[hbm4b:s16+s3] =	stream.linear.scatter [tilespmem:s12], [sflag:$0x3], $0x4000, $0x38;
	[tilespmem:$0x8300] =	vst v63  }
0x61: {  	_ =	swait.ge [sflag:s4], $0x4000  }
0x62: {  	[sflag:s4] =	ssyncset.done $0x0  }
0x63: {  	[sflag:s4] =	ssyncadd.s32 $0xFFFFC000  }
0x64: {  	[tilespmem:s12], [sflag:$0x2] =	stream.indirect.gather [hbm4b:s2+s10], $0x80, s17, s10, $0xb8;
	[tilespmem:$0x8300] =	vst v63  }
0x65: {  	_ =	swait.ge [sflag:s13], $0x4000  }
0x66: {  	[sflag:s13] =	ssyncset.done $0x0  }
0x67: {  	[sflag:s13] =	ssyncadd.s32 $0xFFFFC000  }
0x68: {  	[hbm4b:s18+s3] =	stream.linear.scatter [tilespmem:s11], [sflag:$0x3], $0x4000, $0x38;
	[tilespmem:$0x8300] =	vst v63  }
0x69: {  	_ =	swait.ge [sflag:s4], $0x4000  }
0x6a: {  	[sflag:s4] =	ssyncset.done $0x0  }
0x6b: {  	[sflag:s4] =	ssyncadd.s32 $0xFFFFC000  }
0x6c: {  	[tilespmem:s11], [sflag:$0x1] =	stream.indirect.gather [hbm4b:s2+s10], $0x80, s9, s10, $0xb8;
	[tilespmem:$0x8300] =	vst v63  }
0x6d: {  	_ =	swait.ge [sflag:s15], $0x4000  }
0x6e: {  	[sflag:s15] =	ssyncset.done $0x0  }
0x6f: {  	[sflag:s15] =	ssyncadd.s32 $0xFFFFC000  }
0x70: {  	[hbm4b:s19+s3] =	stream.linear.scatter [tilespmem:s12], [sflag:$0x3], $0x4000, $0x38;
	[tilespmem:$0x8300] =	vst v63  }
0x71: {  	_ =	swait.ge [sflag:s4], $0x4000  }
0x72: {  	[sflag:s4] =	ssyncset.done $0x0  }
0x73: {  	[sflag:s4] =	ssyncadd.s32 $0xFFFFC000  }
0x74: {  	[tilespmem:s12], [sflag:$0x2] =	stream.indirect.gather [hbm4b:s2+s10], $0x80, s20, s10, $0xb8;
	[tilespmem:$0x8300] =	vst v63  }
0x75: {  	_ =	swait.ge [sflag:s13], $0x4000  }
0x76: {  	[sflag:s13] =	ssyncset.done $0x0  }
0x77: {  	[sflag:s13] =	ssyncadd.s32 $0xFFFFC000  }
0x78: {  	[hbm4b:s21+s3] =	stream.linear.scatter [tilespmem:s11], [sflag:$0x3], $0x4000, $0x38;
	[tilespmem:$0x8300] =	vst v63  }
0x79: {  	_ =	swait.ge [sflag:s4], $0x4000  }
0x7a: {  	[sflag:s4] =	ssyncset.done $0x0  }
0x7b: {  	[sflag:s4] =	ssyncadd.s32 $0xFFFFC000  }
0x7c: {  	_ =	swait.ge [sflag:s15], $0x4000  }
.Ltmp1:
0x7d: {  	[sflag:s15] =	ssyncset.done $0x0;
	(pc) =	sbr.rel @p0 .LBB2_1-.Ltmp1, $4  }
0x7e: {  	[sflag:s15] =	ssyncadd.s32 $0xFFFFC000  }
0x7f: {  	[hbm4b:s22+s3] =	stream.linear.scatter [tilespmem:s12], [sflag:$0x3], $0x4000, $0x38;
	[tilespmem:$0x8300] =	vst v63  }
0x80: {  	_ =	swait.ge [sflag:s4], $0x4000  }
0x81: {  	[sflag:s4] =	ssyncset.done $0x0  }
.LBB2_2:
0x82: {  	[sflag:s4] =	ssyncadd.s32 $0xFFFFC000  }
0x83: {  	_ =	sfence.sel $0x180000  }
0x84: {  	[bflag:$0x0] =	sbarrier.arrive $0xFFFF  }
0x85: {  	p0 =	sne.s32 s0, $0x0;
	_ =	strace $0x90000047  }
0x86: {  	s0 =	sadd.s32 @!p0 $0x100000, s1;
	[bflag:$0x2] =	sbarrier.arrive $0xFFFF  }
0x87: {  	[sflag:s0] =	ssyncadd.tile.s32 @!p0 $0x1;
	_ =	shalt  }
.Lfunc_end2:
_tile_overlayer_lowered:
.L_overlay_start_2:
0x88: {  	(tag) =	ssettag $0x2  }
0x89: {  	s0 =	rddreg [dreg:$0x0];
	s2 =	stileid.u32  }
0x8a: {  	s1 =	rddreg [dreg:$0x1];
	p0 =	sne.s32 s2, $0x0  }
0x8b: {  	s3 =	rddreg [dreg:$0x2];
	[bflag:$0x3] =	sbarrier.arrive $0xFFFF;
	s2 =	simm.s32 @!p0 $0x1C03  }
0x8c: {  	[timem:s3], [sflag:s2] =	dma.local @!p0 [hbm:s0], s1  }
0x8d: {  	s0 =	simm.s32 @!p0 $0x3  }
0x8e: {  	_ =	swait.ge @!p0 [sflag:s0], s1  }
0x8f: {  	s1 =	ssub.s32 @!p0 $0x0, s1;
	[sflag:s0] =	ssyncset.done @!p0 $0x0  }
0x90: {  	[sflag:s0] =	ssyncadd.s32 @!p0 s1  }
0x91: {  	[bflag:$0x3] =	sbarrier.arrive $0xFFFF  }
0x92: {  	_ =	shalt  }

</sc_bundles>
